<compile_context>
chip_gen: v7x
topology: tpu7x:2x2x1
jax: 0.10.2.dev20260603
libtpu: 0.0.44.dev20260713+nightly
codegen_flags: <defaults>
</compile_context>

<pallas_src>
import jax
import jax.numpy as jnp
from jax.experimental import pallas as pl
from jax.experimental.pallas import tpu as pltpu
from jax.experimental.pallas import tpu_sc as plsc

_NE = 8192
_D = 256
_TB = 256
_KB = 512
_NKB = _NE // _KB
_CCOST = 0.25
_CHUNK_ENDS = (2736, 5472, 8192)


def _segments(j):
    s, e = _KB * j, _KB * (j + 1)
    segs = []
    pos = s
    for ce in _CHUNK_ENDS:
        if pos < ce < e:
            segs.append((pos - s, ce - s, True))
            pos = ce
    segs.append((pos - s, e - s, e in _CHUNK_ENDS))
    return segs


def _min_tree(v):
    w = v.shape[1]
    while w > 128:
        h = w // 2
        v = jnp.minimum(v[:, :h], v[:, h:w])
        w = h
    return jnp.min(v, axis=1, keepdims=True)


def _tc_body(x_ref, w_ref, x2_ref, w2_ref, idx_ref, cl_ref, cb_ref, tot_ref):
    i = pl.program_id(0)
    n_tok = pl.num_programs(0) * _TB
    x = x_ref[...]
    x2 = x2_ref[...]
    inf = jnp.float32(jnp.inf)

    cur_v = jnp.full((_TB, 1), inf, jnp.float32)
    cur_i = jnp.zeros((_TB, 1), jnp.float32)
    com_b = jnp.full((_TB, 1), inf, jnp.float32)
    com_t = jnp.full((_TB, 1), inf, jnp.float32)
    com_i = jnp.zeros((_TB, 1), jnp.float32)

    lanes = jax.lax.broadcasted_iota(
        jnp.int32, (_TB, _KB), 1).astype(jnp.float32)
    for j in range(_NKB):
        w = w_ref[_KB * j:_KB * (j + 1), :]
        m = jax.lax.dot_general(
            x, w, (((1,), (1,)), ((), ())),
            preferred_element_type=jnp.float32)
        w2 = w2_ref[:, _KB * j:_KB * (j + 1)]
        d2 = (x2 + w2) - 2.0 * m
        dist = jnp.sqrt(jnp.maximum(d2, 0.0))
        for (s, e, commit) in _segments(j):
            if s == 0 and e == _KB:
                dm = dist
            else:
                dm = jnp.where((lanes >= float(s)) & (lanes < float(e)),
                               dist, inf)
            smin = _min_tree(dm)
            sarg = _min_tree(jnp.where(dm == smin, lanes, float(_NE)))
            sarg = sarg + float(_KB * j)
            better = smin < cur_v
            cur_v = jnp.where(better, smin, cur_v)
            cur_i = jnp.where(better, sarg, cur_i)
            if commit:
                take = (cur_v < com_b) | ((cur_v == com_b) & (cur_i < com_i))
                cur_b = cur_v.astype(jnp.bfloat16).astype(jnp.float32)
                com_b = jnp.where(take, cur_b, com_b)
                com_t = jnp.where(take, cur_v, com_t)
                com_i = jnp.where(take, cur_i, com_i)
                cur_v = jnp.full((_TB, 1), inf, jnp.float32)
                cur_i = jnp.zeros((_TB, 1), jnp.float32)

    idx_ref[...] = com_i.astype(jnp.int32).reshape(1, 1, _TB)

    mse_part = jnp.sum(com_t * com_t) / (n_tok * _D)

    @pl.when(i == 0)
    def _():
        cl_ref[...] = jnp.zeros((1, 1), jnp.float32)
        cb_ref[...] = jnp.zeros((1, 1), jnp.float32)
        tot_ref[...] = jnp.zeros((1, 1), jnp.float32)

    cl_ref[...] += _CCOST * mse_part
    cb_ref[...] += mse_part
    tot_ref[...] += (1.0 + _CCOST) * mse_part


def _tc_distance_argmin(x_flat, W, x2, w2):
    n_tok = x_flat.shape[0]
    ntb = n_tok // _TB
    scalar = jax.ShapeDtypeStruct((1, 1), jnp.float32)
    return pl.pallas_call(
        _tc_body,
        grid=(ntb,),
        in_specs=[
            pl.BlockSpec((_TB, _D), lambda i: (i, 0)),
            pl.BlockSpec((_NE, _D), lambda i: (0, 0)),
            pl.BlockSpec((_TB, 1), lambda i: (i, 0)),
            pl.BlockSpec((1, _NE), lambda i: (0, 0)),
        ],
        out_specs=[
            pl.BlockSpec((1, 1, _TB), lambda i: (i, 0, 0)),
            pl.BlockSpec((1, 1), lambda i: (0, 0)),
            pl.BlockSpec((1, 1), lambda i: (0, 0)),
            pl.BlockSpec((1, 1), lambda i: (0, 0)),
        ],
        out_shape=[
            jax.ShapeDtypeStruct((ntb, 1, _TB), jnp.int32),
            scalar, scalar, scalar,
        ],
        compiler_params=pltpu.CompilerParams(
            dimension_semantics=("arbitrary",)),
    )(x_flat, W, x2, w2)


_GW = 128


def _sc_gather(W, indices):
    n = indices.shape[0]
    idx2 = indices.reshape(1, n)
    mesh = plsc.VectorSubcoreMesh(core_axis_name="core",
                                  subcore_axis_name="subcore")

    @pl.kernel(out_type=jax.ShapeDtypeStruct((n, _D), W.dtype), mesh=mesh)
    def gather_kernel(w_hbm, i_hbm, o_hbm):
        def body(i_vmem, o_vmem):
            pltpu.sync_copy(w_hbm.at[i_vmem.at[0]], o_vmem)

        pltpu.emit_pipeline(
            body,
            grid=(n // _GW,),
            in_specs=[pl.BlockSpec((1, _GW), lambda i: (0, i))],
            out_specs=[pl.BlockSpec((_GW, _D), lambda i: (i, 0))],
            core_axis_name=("core", "subcore"),
            dimension_semantics=(pltpu.PARALLEL,),
        )(i_hbm, o_hbm)

    return gather_kernel(W, idx2)


def kernel(x, W):
    orig_shape = x.shape
    x_flat = x.reshape(-1, _D)
    x2 = jnp.sum(x_flat * x_flat, axis=1)[:, None]
    w2 = jnp.sum(W * W, axis=1)[None, :]
    idx3, cl, cb, tot = _tc_distance_argmin(x_flat, W, x2, w2)
    indices = idx3.reshape(-1)
    q = _sc_gather(W, indices)
    quantized_st = q.reshape(orig_shape)
    return (quantized_st, indices,
            cl.reshape(()), cb.reshape(()), tot.reshape(()))

# --- scband reference (transcript-rebuilt; emitter-appended) ---
"""Pipeline reference for scband-enhanced-vector-quantizer-33904471835540 (READ-ONLY COPY).

The authoritative reference and input builder live on the scoring server;
editing this copy changes nothing except your own understanding.
"""

import jax, jax.numpy as jnp
import numpy as np

NUM_EMBEDDINGS = 8192
EMBEDDING_DIM = 256
COMMITMENT_COST = 0.25


def setup_inputs(seed: int = 0) -> dict:
    key = jax.random.key(seed)
    kx, kw = jax.random.split(key)
    x = jax.random.normal(kx, (16, 1024, EMBEDDING_DIM), dtype=jnp.float32)
    bound = 1.0 / NUM_EMBEDDINGS
    W = jax.random.uniform(kw, (NUM_EMBEDDINGS, EMBEDDING_DIM), dtype=jnp.float32, minval=-bound, maxval=bound)
    return {"x": x, "W": W}


def reference(x, W):
    original_shape = x.shape
    x_flat = x.reshape(-1, EMBEDDING_DIM)
    # torch.cdist: pairwise euclidean distance via expansion
    x2 = jnp.sum(x_flat * x_flat, axis=1, keepdims=True)
    w2 = jnp.sum(W * W, axis=1)
    d2 = x2 + w2[None, :] - 2.0 * (x_flat @ W.T)
    distances = jnp.sqrt(jnp.maximum(d2, 0.0))
    indices = jnp.argmin(distances, axis=1)
    quantized_flat = jnp.take(W, indices, axis=0)
    quantized = quantized_flat.reshape(original_shape)
    # eval-mode branch (not training): both losses computed
    commitment_loss = jnp.mean((x - jax.lax.stop_gradient(quantized)) ** 2) * COMMITMENT_COST
    codebook_loss = jnp.mean((quantized - jax.lax.stop_gradient(x)) ** 2)
    quantized_st = x + jax.lax.stop_gradient(quantized - x)
    total = commitment_loss + codebook_loss
    return (quantized_st, indices, commitment_loss, codebook_loss, total)

if __name__ == "__main__":
    import jax
    _d = setup_inputs()
    print(jax.jit(kernel)(*tuple(_d.values())))

</pallas_src>

<mosaic_0001>
#map = affine_map<(d0, d1) -> (0, 0)>
module attributes {stable_mosaic.version = 14 : i64} {
  func.func @gather_kernel(%arg0: i32, %arg1: i32, %arg2: memref<8192x256xf32, #tpu.memory_space<hbm>>, %arg3: memref<1x16384xi32, #tpu.memory_space<hbm>>, %arg4: memref<16384x256xf32, #tpu.memory_space<hbm>>) attributes {dimension_semantics = [#tpu.dimension_semantics<core_parallel>, #tpu.dimension_semantics<subcore_parallel>], iteration_bounds = array<i64: 2, 16>, scalar_prefetch = 0 : i64, scratch_operands = 0 : i64, tpu.core_type = #tpu.core_type<sc_vector_subcore>, window_params = [{transform_indices = #map}, {transform_indices = #map}, {transform_indices = #map}]} {
    %mul3A = arith.constant 1 : i32
    %mul3A_0 = arith.muli %arg1, %mul3A : i32
    %add3A = arith.constant 0 : i32
    %add3A_1 = arith.addi %add3A, %mul3A_0 : i32
    %mul3A_2 = arith.constant 16 : i32
    %mul3A_3 = arith.muli %arg0, %mul3A_2 : i32
    %add3A_4 = arith.addi %add3A_1, %mul3A_3 : i32
    %mul3A_5 = arith.constant 4 : i32
    %mul3A_6 = arith.muli %add3A_4, %mul3A_5 : i32
    "tpu.region"() ({
      %run_scoped3A = memref.alloca() : memref<2x1x128xi32, #tpu.memory_space<vmem>>
      %run_scoped3A_7 = tpu.sem_alloc : memref<2x!tpu.dma_semaphore, #tpu.memory_space<semaphore_mem>>
      %run_scoped3A_8 = memref.alloca() : memref<2x128x256xf32, #tpu.memory_space<vmem>>
      %run_scoped3A_9 = tpu.sem_alloc : memref<2x!tpu.dma_semaphore, #tpu.memory_space<semaphore_mem>>
      %add3A_10 = arith.constant 0 : i32
      %add3A_11 = arith.addi %add3A_10, %mul3A_6 : i32
      %select_n3A = arith.constant true
      %select_n3A_12 = arith.constant 0 : i32
      %select_n3A_13 = arith.constant -1 : i32
      %select_n3A_14 = arith.select %select_n3A, %select_n3A_13, %select_n3A_12 : i32
      %eq3A = arith.constant -1 : i32
      %eq3A_15 = arith.cmpi eq, %select_n3A_14, %eq3A : i32
      %select_n3A_16 = arith.constant 3 : i32
      %select_n3A_17 = arith.select %eq3A_15, %select_n3A_16, %select_n3A_14 : i32
      %add3A_18 = arith.addi %select_n3A_17, %mul3A_6 : i32
      %select_n3A_19 = arith.constant true
      %select_n3A_20 = arith.constant 0 : i32
      %select_n3A_21 = arith.constant 1 : i32
      %select_n3A_22 = arith.select %select_n3A_19, %select_n3A_21, %select_n3A_20 : i32
      %eq3A_23 = arith.constant 4 : i32
      %eq3A_24 = arith.cmpi eq, %select_n3A_22, %eq3A_23 : i32
      %select_n3A_25 = arith.constant 0 : i32
      %select_n3A_26 = arith.select %eq3A_24, %select_n3A_25, %select_n3A_22 : i32
      %add3A_27 = arith.addi %select_n3A_26, %mul3A_6 : i32
      %add3A_28 = arith.constant 1 : i32
      %add3A_29 = arith.addi %select_n3A_26, %add3A_28 : i32
      %select_n3A_30 = arith.constant true
      %select_n3A_31 = arith.select %select_n3A_30, %add3A_29, %select_n3A_26 : i32
      %eq3A_32 = arith.constant 4 : i32
      %eq3A_33 = arith.cmpi eq, %select_n3A_31, %eq3A_32 : i32
      %select_n3A_34 = arith.constant 0 : i32
      %select_n3A_35 = arith.select %eq3A_33, %select_n3A_34, %select_n3A_31 : i32
      %add3A_36 = arith.addi %select_n3A_35, %mul3A_6 : i32
      "tpu.trace_start"() <{level = 10 : i32, message = "ep_initialize_0"}> : () -> ()
      %rem3A = arith.constant 0 : i32
      %rem3A_37 = arith.constant 2 : i32
      %rem3A_38 = arith.remui %rem3A, %rem3A_37 : i32
      %mul3A_39 = arith.constant 128 : i32
      %mul3A_40 = arith.muli %mul3A_39, %add3A_11 : i32
      %dma_start3A = arith.constant 0 : i32
      %dma_start3A_41 = arith.constant 0 : i32
      %dma_start3A_42 = tpu.memref_slice %run_scoped3A[%rem3A_38, %dma_start3A, %dma_start3A_41] : memref<2x1x128xi32, #tpu.memory_space<vmem>> -> memref<1x1x128xi32, #tpu.memory_space<vmem>>
      %dma_start3A_43 = tpu.memref_squeeze %dma_start3A_42 : memref<1x1x128xi32, #tpu.memory_space<vmem>> -> memref<1x128xi32, #tpu.memory_space<vmem>>
      %dma_start3A_44 = arith.constant 0 : i32
      %dma_start3A_45 = tpu.memref_slice %arg3[%dma_start3A_44, %mul3A_40] : memref<1x16384xi32, #tpu.memory_space<hbm>> -> memref<1x128xi32, #tpu.memory_space<hbm>>
      %dma_start3A_46 = tpu.memref_slice %run_scoped3A_7[%rem3A_38] : memref<2x!tpu.dma_semaphore, #tpu.memory_space<semaphore_mem>> -> memref<1x!tpu.dma_semaphore, #tpu.memory_space<semaphore_mem>>
      %dma_start3A_47 = tpu.memref_squeeze %dma_start3A_46 : memref<1x!tpu.dma_semaphore, #tpu.memory_space<semaphore_mem>> -> memref<!tpu.dma_semaphore, #tpu.memory_space<semaphore_mem>>
      %dma_start3A_48 = arith.constant 0 : i32
      %dma_start3A_49 = arith.constant 0 : i32
      %dma_start3A_50 = tpu.memref_slice %run_scoped3A[%rem3A_38, %dma_start3A_48, %dma_start3A_49] : memref<2x1x128xi32, #tpu.memory_space<vmem>> -> memref<1x1x128xi32, #tpu.memory_space<vmem>>
      %dma_start3A_51 = tpu.memref_squeeze %dma_start3A_50 : memref<1x1x128xi32, #tpu.memory_space<vmem>> -> memref<1x128xi32, #tpu.memory_space<vmem>>
      %dma_start3A_52 = arith.constant 0 : i32
      %dma_start3A_53 = tpu.memref_slice %arg3[%dma_start3A_52, %mul3A_40] : memref<1x16384xi32, #tpu.memory_space<hbm>> -> memref<1x128xi32, #tpu.memory_space<hbm>>
      tpu.enqueue_dma source(%dma_start3A_53 : memref<1x128xi32, #tpu.memory_space<hbm>>) target(%dma_start3A_51 : memref<1x128xi32, #tpu.memory_space<vmem>>) target_semaphore(%dma_start3A_47 : memref<!tpu.dma_semaphore, #tpu.memory_space<semaphore_mem>>)
      %add3A_54 = arith.constant 0 : i32
      %add3A_55 = arith.constant 1 : i32
      %add3A_56 = arith.addi %add3A_54, %add3A_55 : i32
      %select_n3A_57 = arith.constant true
      %select_n3A_58 = arith.constant 0 : i32
      %select_n3A_59 = arith.select %select_n3A_57, %add3A_56, %select_n3A_58 : i32
      "tpu.trace_stop"() : () -> ()
      %scan3A = arith.constant 0 : i32
      %scan3A_60 = arith.constant 0 : i32
      %scan3A_61 = arith.constant 0 : i32
      %scan3A_62 = arith.constant 0 : i32
      %scan3A_63 = arith.constant 0 : i32
      %scan3A_64 = arith.constant 4 : i32
      %scan3A_65 = arith.addi %scan3A_63, %scan3A_64 : i32
      %scan3A_66 = arith.constant 1 : i32
      %scan3A_67:5 = scf.for %scan3A_121 = %scan3A_63 to %scan3A_65 step %scan3A_66 iter_args(%scan3A_122 = %select_n3A_59, %scan3A_123 = %scan3A, %scan3A_124 = %scan3A_60, %scan3A_125 = %scan3A_61, %scan3A_126 = %scan3A_62) -> (i32, i32, i32, i32, i32)  : i32 {
        %eq3A_127 = arith.constant 0 : i32
        %eq3A_128 = arith.cmpi eq, %scan3A_121, %eq3A_127 : i32
        %eq3A_129 = arith.constant 3 : i32
        %eq3A_130 = arith.cmpi eq, %scan3A_121, %eq3A_129 : i32
        %add3A_131 = arith.addi %scan3A_126, %mul3A_6 : i32
        %sub3A_132 = arith.constant 1 : i32
        %sub3A_133 = arith.subi %scan3A_126, %sub3A_132 : i32
        %select_n3A_134 = arith.constant true
        %select_n3A_135 = arith.select %select_n3A_134, %sub3A_133, %scan3A_126 : i32
        %eq3A_136 = arith.constant -1 : i32
        %eq3A_137 = arith.cmpi eq, %select_n3A_135, %eq3A_136 : i32
        %select_n3A_138 = arith.constant 3 : i32
        %select_n3A_139 = arith.select %eq3A_137, %select_n3A_138, %select_n3A_135 : i32
        %add3A_140 = arith.addi %select_n3A_139, %mul3A_6 : i32
        %add3A_141 = arith.constant 1 : i32
        %add3A_142 = arith.addi %scan3A_126, %add3A_141 : i32
        %select_n3A_143 = arith.constant true
        %select_n3A_144 = arith.select %select_n3A_143, %add3A_142, %scan3A_126 : i32
        %eq3A_145 = arith.constant 4 : i32
        %eq3A_146 = arith.cmpi eq, %select_n3A_144, %eq3A_145 : i32
        %select_n3A_147 = arith.constant 0 : i32
        %select_n3A_148 = arith.select %eq3A_146, %select_n3A_147, %select_n3A_144 : i32
        %add3A_149 = arith.addi %select_n3A_148, %mul3A_6 : i32
        %add3A_150 = arith.constant 1 : i32
        %add3A_151 = arith.addi %select_n3A_148, %add3A_150 : i32
        %select_n3A_152 = arith.constant true
        %select_n3A_153 = arith.select %select_n3A_152, %add3A_151, %select_n3A_148 : i32
        %eq3A_154 = arith.constant 4 : i32
        %eq3A_155 = arith.cmpi eq, %select_n3A_153, %eq3A_154 : i32
        %select_n3A_156 = arith.constant 0 : i32
        %select_n3A_157 = arith.select %eq3A_155, %select_n3A_156, %select_n3A_153 : i32
        %add3A_158 = arith.addi %select_n3A_157, %mul3A_6 : i32
        %ne3A = arith.cmpi ne, %add3A_131, %add3A_149 : i32
        %or3A = arith.constant false
        %or3A_159 = arith.ori %or3A, %ne3A : i1
        %ge3A = arith.constant 3 : i32
        %ge3A_160 = arith.cmpi sge, %scan3A_121, %ge3A : i32
        %not3A = arith.constant true
        %not3A_161 = arith.xori %ge3A_160, %not3A : i1
        %and3A = arith.andi %or3A_159, %not3A_161 : i1
        %convert_element_type3A = arith.extui %and3A : i1 to i32
        %cond3A = arith.constant 0 : i32
        %cond3A_162 = arith.cmpi ne, %convert_element_type3A, %cond3A : i32
        scf.if %cond3A_162 {
          "tpu.trace_start"() <{level = 10 : i32, message = "ep_copy_in"}> : () -> ()
          %rem3A_264 = arith.constant 2 : i32
          %rem3A_265 = arith.remui %scan3A_122, %rem3A_264 : i32
          %mul3A_266 = arith.constant 128 : i32
          %mul3A_267 = arith.muli %mul3A_266, %add3A_149 : i32
          %dma_start3A_268 = arith.constant 0 : i32
          %dma_start3A_269 = arith.constant 0 : i32
          %dma_start3A_270 = tpu.memref_slice %run_scoped3A[%rem3A_265, %dma_start3A_268, %dma_start3A_269] : memref<2x1x128xi32, #tpu.memory_space<vmem>> -> memref<1x1x128xi32, #tpu.memory_space<vmem>>
          %dma_start3A_271 = tpu.memref_squeeze %dma_start3A_270 : memref<1x1x128xi32, #tpu.memory_space<vmem>> -> memref<1x128xi32, #tpu.memory_space<vmem>>
          %dma_start3A_272 = arith.constant 0 : i32
          %dma_start3A_273 = tpu.memref_slice %arg3[%dma_start3A_272, %mul3A_267] : memref<1x16384xi32, #tpu.memory_space<hbm>> -> memref<1x128xi32, #tpu.memory_space<hbm>>
          %dma_start3A_274 = tpu.memref_slice %run_scoped3A_7[%rem3A_265] : memref<2x!tpu.dma_semaphore, #tpu.memory_space<semaphore_mem>> -> memref<1x!tpu.dma_semaphore, #tpu.memory_space<semaphore_mem>>
          %dma_start3A_275 = tpu.memref_squeeze %dma_start3A_274 : memref<1x!tpu.dma_semaphore, #tpu.memory_space<semaphore_mem>> -> memref<!tpu.dma_semaphore, #tpu.memory_space<semaphore_mem>>
          %dma_start3A_276 = arith.constant 0 : i32
          %dma_start3A_277 = arith.constant 0 : i32
          %dma_start3A_278 = tpu.memref_slice %run_scoped3A[%rem3A_265, %dma_start3A_276, %dma_start3A_277] : memref<2x1x128xi32, #tpu.memory_space<vmem>> -> memref<1x1x128xi32, #tpu.memory_space<vmem>>
          %dma_start3A_279 = tpu.memref_squeeze %dma_start3A_278 : memref<1x1x128xi32, #tpu.memory_space<vmem>> -> memref<1x128xi32, #tpu.memory_space<vmem>>
          %dma_start3A_280 = arith.constant 0 : i32
          %dma_start3A_281 = tpu.memref_slice %arg3[%dma_start3A_280, %mul3A_267] : memref<1x16384xi32, #tpu.memory_space<hbm>> -> memref<1x128xi32, #tpu.memory_space<hbm>>
          tpu.enqueue_dma source(%dma_start3A_281 : memref<1x128xi32, #tpu.memory_space<hbm>>) target(%dma_start3A_279 : memref<1x128xi32, #tpu.memory_space<vmem>>) target_semaphore(%dma_start3A_275 : memref<!tpu.dma_semaphore, #tpu.memory_space<semaphore_mem>>)
          "tpu.trace_stop"() : () -> ()
        } else {
        }
        %and3A_163 = arith.constant true
        %and3A_164 = arith.andi %and3A, %and3A_163 : i1
        %add3A_165 = arith.constant 1 : i32
        %add3A_166 = arith.addi %scan3A_122, %add3A_165 : i32
        %select_n3A_167 = arith.select %and3A_164, %add3A_166, %scan3A_122 : i32
        %ne3A_168 = arith.cmpi ne, %add3A_131, %add3A_149 : i32
        %or3A_169 = arith.constant false
        %or3A_170 = arith.ori %or3A_169, %ne3A_168 : i1
        %or3A_171 = arith.constant false
        %or3A_172 = arith.ori %or3A_170, %or3A_171 : i1
        %ge3A_173 = arith.constant 3 : i32
        %ge3A_174 = arith.cmpi sge, %scan3A_121, %ge3A_173 : i32
        %not3A_175 = arith.constant true
        %not3A_176 = arith.xori %ge3A_174, %not3A_175 : i1
        %and3A_177 = arith.andi %or3A_172, %not3A_176 : i1
        %ne3A_178 = arith.cmpi ne, %add3A_131, %add3A_140 : i32
        %or3A_179 = arith.constant false
        %or3A_180 = arith.ori %or3A_179, %ne3A_178 : i1
        %or3A_181 = arith.ori %or3A_180, %eq3A_128 : i1
        %convert_element_type3A_182 = arith.extui %or3A_181 : i1 to i32
        %cond3A_183 = arith.constant 0 : i32
        %cond3A_184 = arith.cmpi ne, %convert_element_type3A_182, %cond3A_183 : i32
        scf.if %cond3A_184 {
          "tpu.trace_start"() <{level = 10 : i32, message = "ep_wait_in"}> : () -> ()
          %mul3A_264 = arith.constant 128 : i32
          %mul3A_265 = arith.muli %mul3A_264, %add3A_131 : i32
          %rem3A_266 = arith.constant 2 : i32
          %rem3A_267 = arith.remui %scan3A_123, %rem3A_266 : i32
          %dma_wait3A_268 = arith.constant 0 : i32
          %dma_wait3A_269 = arith.constant 0 : i32
          %dma_wait3A_270 = tpu.memref_slice %run_scoped3A[%rem3A_267, %dma_wait3A_268, %dma_wait3A_269] : memref<2x1x128xi32, #tpu.memory_space<vmem>> -> memref<1x1x128xi32, #tpu.memory_space<vmem>>
          %dma_wait3A_271 = tpu.memref_squeeze %dma_wait3A_270 : memref<1x1x128xi32, #tpu.memory_space<vmem>> -> memref<1x128xi32, #tpu.memory_space<vmem>>
          %dma_wait3A_272 = arith.constant 0 : i32
          %dma_wait3A_273 = tpu.memref_slice %arg3[%dma_wait3A_272, %mul3A_265] : memref<1x16384xi32, #tpu.memory_space<hbm>> -> memref<1x128xi32, #tpu.memory_space<hbm>>
          %dma_wait3A_274 = tpu.memref_slice %run_scoped3A_7[%rem3A_267] : memref<2x!tpu.dma_semaphore, #tpu.memory_space<semaphore_mem>> -> memref<1x!tpu.dma_semaphore, #tpu.memory_space<semaphore_mem>>
          %dma_wait3A_275 = tpu.memref_squeeze %dma_wait3A_274 : memref<1x!tpu.dma_semaphore, #tpu.memory_space<semaphore_mem>> -> memref<!tpu.dma_semaphore, #tpu.memory_space<semaphore_mem>>
          %dma_wait3A_276 = arith.constant 0 : i32
          %dma_wait3A_277 = arith.constant 0 : i32
          %dma_wait3A_278 = tpu.memref_slice %run_scoped3A[%rem3A_267, %dma_wait3A_276, %dma_wait3A_277] : memref<2x1x128xi32, #tpu.memory_space<vmem>> -> memref<1x1x128xi32, #tpu.memory_space<vmem>>
          %dma_wait3A_279 = tpu.memref_squeeze %dma_wait3A_278 : memref<1x1x128xi32, #tpu.memory_space<vmem>> -> memref<1x128xi32, #tpu.memory_space<vmem>>
          %dma_wait3A_280 = arith.constant 0 : i32
          %dma_wait3A_281 = tpu.memref_slice %arg3[%dma_wait3A_280, %mul3A_265] : memref<1x16384xi32, #tpu.memory_space<hbm>> -> memref<1x128xi32, #tpu.memory_space<hbm>>
          tpu.wait_dma2 semaphore(%dma_wait3A_275 : memref<!tpu.dma_semaphore, #tpu.memory_space<semaphore_mem>>) src(%dma_wait3A_281 : memref<1x128xi32, #tpu.memory_space<hbm>>) dst(%dma_wait3A_279 : memref<1x128xi32, #tpu.memory_space<vmem>>)
          "tpu.trace_stop"() : () -> ()
        } else {
        }
        %ne3A_185 = arith.cmpi ne, %add3A_131, %add3A_140 : i32
        %or3A_186 = arith.constant false
        %or3A_187 = arith.ori %or3A_186, %ne3A_185 : i1
        %or3A_188 = arith.constant false
        %or3A_189 = arith.ori %or3A_187, %or3A_188 : i1
        %or3A_190 = arith.ori %or3A_189, %eq3A_128 : i1
        %convert_element_type3A_191 = arith.extui %or3A_190 : i1 to i32
        %cond3A_192 = arith.constant 0 : i32
        %cond3A_193 = arith.cmpi ne, %convert_element_type3A_191, %cond3A_192 : i32
        scf.if %cond3A_193 {
        } else {
        }
        %rem3A_194 = arith.constant 2 : i32
        %rem3A_195 = arith.remui %scan3A_123, %rem3A_194 : i32
        %rem3A_196 = arith.constant 2 : i32
        %rem3A_197 = arith.remui %scan3A_124, %rem3A_196 : i32
        %run_scoped3A_198 = arith.constant 0 : i32
        "tpu.trace_start"() <{level = 10 : i32, message = "ep_run_kernel"}> : () -> ()
        "tpu.region"() ({
          %run_scoped3A_264 = tpu.sem_alloc : memref<!tpu.dma_semaphore, #tpu.memory_space<semaphore_mem>>
          %dma_start3A_265 = arith.constant 0 : i32
          %dma_start3A_266 = arith.constant 0 : i32
          %dma_start3A_267 = tpu.memref_slice %run_scoped3A_8[%rem3A_197, %dma_start3A_265, %dma_start3A_266] : memref<2x128x256xf32, #tpu.memory_space<vmem>> -> memref<1x128x256xf32, #tpu.memory_space<vmem>>
          %dma_start3A_268 = tpu.memref_squeeze %dma_start3A_267 : memref<1x128x256xf32, #tpu.memory_space<vmem>> -> memref<128x256xf32, #tpu.memory_space<vmem>>
          %dma_start3A_269 = arith.constant 0 : i32
          %dma_start3A_270 = arith.constant 0 : i32
          %dma_start3A_271 = tpu.memref_slice %run_scoped3A[%rem3A_195, %dma_start3A_269, %dma_start3A_270] : memref<2x1x128xi32, #tpu.memory_space<vmem>> -> memref<1x1x128xi32, #tpu.memory_space<vmem>>
          %dma_start3A_272 = tpu.memref_squeeze %dma_start3A_271 : memref<1x1x128xi32, #tpu.memory_space<vmem>> -> memref<1x128xi32, #tpu.memory_space<vmem>>
          %dma_start3A_273 = arith.constant 0 : i32
          %dma_start3A_274 = tpu.memref_slice %dma_start3A_272[%run_scoped3A_198, %dma_start3A_273] : memref<1x128xi32, #tpu.memory_space<vmem>> -> memref<1x128xi32, #tpu.memory_space<vmem>>
          %dma_start3A_275 = tpu.memref_squeeze %dma_start3A_274 : memref<1x128xi32, #tpu.memory_space<vmem>> -> memref<128xi32, #tpu.memory_space<vmem>>
          %dma_start3A_276 = arith.constant 0 : i32
          %dma_start3A_277 = arith.constant 0 : i32
          %dma_start3A_278 = tpu.memref_slice %arg2[%dma_start3A_276, %dma_start3A_277] : memref<8192x256xf32, #tpu.memory_space<hbm>> -> memref<8192x256xf32, #tpu.memory_space<hbm>>
          tpu.enqueue_indirect_dma source(%dma_start3A_278 : memref<8192x256xf32, #tpu.memory_space<hbm>>) target(%dma_start3A_268 : memref<128x256xf32, #tpu.memory_space<vmem>>) offsets(%dma_start3A_275 : memref<128xi32, #tpu.memory_space<vmem>>) semaphore(%run_scoped3A_264 : memref<!tpu.dma_semaphore, #tpu.memory_space<semaphore_mem>>)
          %dma_wait3A_279 = arith.constant 0 : i32
          %dma_wait3A_280 = arith.constant 0 : i32
          %dma_wait3A_281 = tpu.memref_slice %run_scoped3A_8[%rem3A_197, %dma_wait3A_279, %dma_wait3A_280] : memref<2x128x256xf32, #tpu.memory_space<vmem>> -> memref<1x128x256xf32, #tpu.memory_space<vmem>>
          %dma_wait3A_282 = tpu.memref_squeeze %dma_wait3A_281 : memref<1x128x256xf32, #tpu.memory_space<vmem>> -> memref<128x256xf32, #tpu.memory_space<vmem>>
          %dma_wait3A_283 = arith.constant 0 : i32
          %dma_wait3A_284 = arith.constant 0 : i32
          %dma_wait3A_285 = tpu.memref_slice %run_scoped3A[%rem3A_195, %dma_wait3A_283, %dma_wait3A_284] : memref<2x1x128xi32, #tpu.memory_space<vmem>> -> memref<1x1x128xi32, #tpu.memory_space<vmem>>
          %dma_wait3A_286 = tpu.memref_squeeze %dma_wait3A_285 : memref<1x1x128xi32, #tpu.memory_space<vmem>> -> memref<1x128xi32, #tpu.memory_space<vmem>>
          %dma_wait3A_287 = arith.constant 0 : i32
          %dma_wait3A_288 = tpu.memref_slice %dma_wait3A_286[%run_scoped3A_198, %dma_wait3A_287] : memref<1x128xi32, #tpu.memory_space<vmem>> -> memref<1x128xi32, #tpu.memory_space<vmem>>
          %dma_wait3A_289 = tpu.memref_squeeze %dma_wait3A_288 : memref<1x128xi32, #tpu.memory_space<vmem>> -> memref<128xi32, #tpu.memory_space<vmem>>
          %dma_wait3A_290 = arith.constant 0 : i32
          %dma_wait3A_291 = arith.constant 0 : i32
          %dma_wait3A_292 = tpu.memref_slice %arg2[%dma_wait3A_290, %dma_wait3A_291] : memref<8192x256xf32, #tpu.memory_space<hbm>> -> memref<8192x256xf32, #tpu.memory_space<hbm>>
          tpu.wait_indirect_dma semaphore(%run_scoped3A_264 : memref<!tpu.dma_semaphore, #tpu.memory_space<semaphore_mem>>) src(%dma_wait3A_292 : memref<8192x256xf32, #tpu.memory_space<hbm>>) dst(%dma_wait3A_282 : memref<128x256xf32, #tpu.memory_space<vmem>>)
          tpu.yield
        }) : () -> ()
        "tpu.trace_stop"() : () -> ()
        %ne3A_199 = arith.cmpi ne, %add3A_131, %add3A_149 : i32
        %or3A_200 = arith.constant false
        %or3A_201 = arith.ori %or3A_200, %ne3A_199 : i1
        %or3A_202 = arith.ori %or3A_201, %eq3A_130 : i1
        %convert_element_type3A_203 = arith.extui %or3A_202 : i1 to i32
        %cond3A_204 = arith.constant 0 : i32
        %cond3A_205 = arith.cmpi ne, %convert_element_type3A_203, %cond3A_204 : i32
        scf.if %cond3A_205 {
        } else {
        }
        %and3A_206 = arith.constant false
        %and3A_207 = arith.andi %or3A_202, %and3A_206 : i1
        %ne3A_208 = arith.cmpi ne, %add3A_131, %add3A_149 : i32
        %or3A_209 = arith.constant false
        %or3A_210 = arith.ori %or3A_209, %ne3A_208 : i1
        %or3A_211 = arith.constant false
        %or3A_212 = arith.ori %or3A_210, %or3A_211 : i1
        %or3A_213 = arith.ori %or3A_212, %eq3A_130 : i1
        %convert_element_type3A_214 = arith.extui %or3A_213 : i1 to i32
        %cond3A_215 = arith.constant 0 : i32
        %cond3A_216 = arith.cmpi ne, %convert_element_type3A_214, %cond3A_215 : i32
        scf.if %cond3A_216 {
          "tpu.trace_start"() <{level = 10 : i32, message = "ep_copy_out"}> : () -> ()
          %rem3A_264 = arith.constant 2 : i32
          %rem3A_265 = arith.remui %scan3A_124, %rem3A_264 : i32
          %mul3A_266 = arith.constant 128 : i32
          %mul3A_267 = arith.muli %mul3A_266, %add3A_131 : i32
          %dma_start3A_268 = arith.constant 0 : i32
          %dma_start3A_269 = arith.constant 0 : i32
          %dma_start3A_270 = tpu.memref_slice %run_scoped3A_8[%rem3A_265, %dma_start3A_268, %dma_start3A_269] : memref<2x128x256xf32, #tpu.memory_space<vmem>> -> memref<1x128x256xf32, #tpu.memory_space<vmem>>
          %dma_start3A_271 = tpu.memref_squeeze %dma_start3A_270 : memref<1x128x256xf32, #tpu.memory_space<vmem>> -> memref<128x256xf32, #tpu.memory_space<vmem>>
          %dma_start3A_272 = arith.constant 0 : i32
          %dma_start3A_273 = tpu.memref_slice %arg4[%mul3A_267, %dma_start3A_272] : memref<16384x256xf32, #tpu.memory_space<hbm>> -> memref<128x256xf32, #tpu.memory_space<hbm>>
          %dma_start3A_274 = tpu.memref_slice %run_scoped3A_9[%rem3A_265] : memref<2x!tpu.dma_semaphore, #tpu.memory_space<semaphore_mem>> -> memref<1x!tpu.dma_semaphore, #tpu.memory_space<semaphore_mem>>
          %dma_start3A_275 = tpu.memref_squeeze %dma_start3A_274 : memref<1x!tpu.dma_semaphore, #tpu.memory_space<semaphore_mem>> -> memref<!tpu.dma_semaphore, #tpu.memory_space<semaphore_mem>>
          %dma_start3A_276 = arith.constant 0 : i32
          %dma_start3A_277 = tpu.memref_slice %arg4[%mul3A_267, %dma_start3A_276] : memref<16384x256xf32, #tpu.memory_space<hbm>> -> memref<128x256xf32, #tpu.memory_space<hbm>>
          %dma_start3A_278 = arith.constant 0 : i32
          %dma_start3A_279 = arith.constant 0 : i32
          %dma_start3A_280 = tpu.memref_slice %run_scoped3A_8[%rem3A_265, %dma_start3A_278, %dma_start3A_279] : memref<2x128x256xf32, #tpu.memory_space<vmem>> -> memref<1x128x256xf32, #tpu.memory_space<vmem>>
          %dma_start3A_281 = tpu.memref_squeeze %dma_start3A_280 : memref<1x128x256xf32, #tpu.memory_space<vmem>> -> memref<128x256xf32, #tpu.memory_space<vmem>>
          tpu.enqueue_dma source(%dma_start3A_281 : memref<128x256xf32, #tpu.memory_space<vmem>>) target(%dma_start3A_277 : memref<128x256xf32, #tpu.memory_space<hbm>>) target_semaphore(%dma_start3A_275 : memref<!tpu.dma_semaphore, #tpu.memory_space<semaphore_mem>>)
          "tpu.trace_stop"() : () -> ()
        } else {
        }
        %and3A_217 = arith.constant true
        %and3A_218 = arith.andi %or3A_213, %and3A_217 : i1
        %add3A_219 = arith.constant 1 : i32
        %add3A_220 = arith.addi %scan3A_124, %add3A_219 : i32
        %select_n3A_221 = arith.select %and3A_218, %add3A_220, %scan3A_124 : i32
        %ne3A_222 = arith.cmpi ne, %add3A_131, %add3A_140 : i32
        %or3A_223 = arith.constant false
        %or3A_224 = arith.ori %or3A_223, %ne3A_222 : i1
        %not3A_225 = arith.constant true
        %not3A_226 = arith.xori %eq3A_128, %not3A_225 : i1
        %and3A_227 = arith.andi %or3A_224, %not3A_226 : i1
        %convert_element_type3A_228 = arith.extui %and3A_227 : i1 to i32
        %cond3A_229 = arith.constant 0 : i32
        %cond3A_230 = arith.cmpi ne, %convert_element_type3A_228, %cond3A_229 : i32
        scf.if %cond3A_230 {
        } else {
        }
        %and3A_231 = arith.constant false
        %and3A_232 = arith.andi %and3A_227, %and3A_231 : i1
        %ne3A_233 = arith.cmpi ne, %add3A_131, %add3A_140 : i32
        %or3A_234 = arith.constant false
        %or3A_235 = arith.ori %or3A_234, %ne3A_233 : i1
        %or3A_236 = arith.constant false
        %or3A_237 = arith.ori %or3A_235, %or3A_236 : i1
        %not3A_238 = arith.constant true
        %not3A_239 = arith.xori %eq3A_128, %not3A_238 : i1
        %and3A_240 = arith.andi %or3A_237, %not3A_239 : i1
        %convert_element_type3A_241 = arith.extui %and3A_240 : i1 to i32
        %cond3A_242 = arith.constant 0 : i32
        %cond3A_243 = arith.cmpi ne, %convert_element_type3A_241, %cond3A_242 : i32
        scf.if %cond3A_243 {
          "tpu.trace_start"() <{level = 10 : i32, message = "ep_wait_out"}> : () -> ()
          %rem3A_264 = arith.constant 2 : i32
          %rem3A_265 = arith.remui %scan3A_125, %rem3A_264 : i32
          %mul3A_266 = arith.constant 128 : i32
          %mul3A_267 = arith.muli %mul3A_266, %add3A_140 : i32
          %dma_wait3A_268 = arith.constant 0 : i32
          %dma_wait3A_269 = arith.constant 0 : i32
          %dma_wait3A_270 = tpu.memref_slice %run_scoped3A_8[%rem3A_265, %dma_wait3A_268, %dma_wait3A_269] : memref<2x128x256xf32, #tpu.memory_space<vmem>> -> memref<1x128x256xf32, #tpu.memory_space<vmem>>
          %dma_wait3A_271 = tpu.memref_squeeze %dma_wait3A_270 : memref<1x128x256xf32, #tpu.memory_space<vmem>> -> memref<128x256xf32, #tpu.memory_space<vmem>>
          %dma_wait3A_272 = arith.constant 0 : i32
          %dma_wait3A_273 = tpu.memref_slice %arg4[%mul3A_267, %dma_wait3A_272] : memref<16384x256xf32, #tpu.memory_space<hbm>> -> memref<128x256xf32, #tpu.memory_space<hbm>>
          %dma_wait3A_274 = tpu.memref_slice %run_scoped3A_9[%rem3A_265] : memref<2x!tpu.dma_semaphore, #tpu.memory_space<semaphore_mem>> -> memref<1x!tpu.dma_semaphore, #tpu.memory_space<semaphore_mem>>
          %dma_wait3A_275 = tpu.memref_squeeze %dma_wait3A_274 : memref<1x!tpu.dma_semaphore, #tpu.memory_space<semaphore_mem>> -> memref<!tpu.dma_semaphore, #tpu.memory_space<semaphore_mem>>
          %dma_wait3A_276 = arith.constant 0 : i32
          %dma_wait3A_277 = tpu.memref_slice %arg4[%mul3A_267, %dma_wait3A_276] : memref<16384x256xf32, #tpu.memory_space<hbm>> -> memref<128x256xf32, #tpu.memory_space<hbm>>
          %dma_wait3A_278 = arith.constant 0 : i32
          %dma_wait3A_279 = arith.constant 0 : i32
          %dma_wait3A_280 = tpu.memref_slice %run_scoped3A_8[%rem3A_265, %dma_wait3A_278, %dma_wait3A_279] : memref<2x128x256xf32, #tpu.memory_space<vmem>> -> memref<1x128x256xf32, #tpu.memory_space<vmem>>
          %dma_wait3A_281 = tpu.memref_squeeze %dma_wait3A_280 : memref<1x128x256xf32, #tpu.memory_space<vmem>> -> memref<128x256xf32, #tpu.memory_space<vmem>>
          tpu.wait_dma2 semaphore(%dma_wait3A_275 : memref<!tpu.dma_semaphore, #tpu.memory_space<semaphore_mem>>) src(%dma_wait3A_281 : memref<128x256xf32, #tpu.memory_space<vmem>>) dst(%dma_wait3A_277 : memref<128x256xf32, #tpu.memory_space<hbm>>)
          "tpu.trace_stop"() : () -> ()
        } else {
        }
        %and3A_244 = arith.constant true
        %and3A_245 = arith.andi %and3A_240, %and3A_244 : i1
        %add3A_246 = arith.constant 1 : i32
        %add3A_247 = arith.addi %scan3A_125, %add3A_246 : i32
        %select_n3A_248 = arith.select %and3A_245, %add3A_247, %scan3A_125 : i32
        %ne3A_249 = arith.cmpi ne, %add3A_131, %add3A_149 : i32
        %or3A_250 = arith.constant false
        %or3A_251 = arith.ori %or3A_250, %ne3A_249 : i1
        %or3A_252 = arith.ori %or3A_251, %eq3A_130 : i1
        %add3A_253 = arith.constant 1 : i32
        %add3A_254 = arith.addi %scan3A_123, %add3A_253 : i32
        %select_n3A_255 = arith.select %or3A_252, %add3A_254, %scan3A_123 : i32
        %add3A_256 = arith.constant 1 : i32
        %add3A_257 = arith.addi %scan3A_126, %add3A_256 : i32
        %select_n3A_258 = arith.constant true
        %select_n3A_259 = arith.select %select_n3A_258, %add3A_257, %scan3A_126 : i32
        %eq3A_260 = arith.constant 4 : i32
        %eq3A_261 = arith.cmpi eq, %select_n3A_259, %eq3A_260 : i32
        %select_n3A_262 = arith.constant 0 : i32
        %select_n3A_263 = arith.select %eq3A_261, %select_n3A_262, %select_n3A_259 : i32
        scf.yield %select_n3A_167, %select_n3A_255, %select_n3A_221, %select_n3A_248, %select_n3A_263 : i32, i32, i32, i32, i32
      }
      %scan3A_68 = arith.constant 4 : i32
      %sub3A = arith.constant 1 : i32
      %sub3A_69 = arith.subi %scan3A_67#4, %sub3A : i32
      %select_n3A_70 = arith.constant true
      %select_n3A_71 = arith.select %select_n3A_70, %sub3A_69, %scan3A_67#4 : i32
      %eq3A_72 = arith.constant -1 : i32
      %eq3A_73 = arith.cmpi eq, %select_n3A_71, %eq3A_72 : i32
      %select_n3A_74 = arith.constant 3 : i32
      %select_n3A_75 = arith.select %eq3A_73, %select_n3A_74, %select_n3A_71 : i32
      %add3A_76 = arith.addi %select_n3A_75, %mul3A_6 : i32
      %sub3A_77 = arith.constant 1 : i32
      %sub3A_78 = arith.subi %select_n3A_75, %sub3A_77 : i32
      %select_n3A_79 = arith.constant true
      %select_n3A_80 = arith.select %select_n3A_79, %sub3A_78, %select_n3A_75 : i32
      %eq3A_81 = arith.constant -1 : i32
      %eq3A_82 = arith.cmpi eq, %select_n3A_80, %eq3A_81 : i32
      %select_n3A_83 = arith.constant 3 : i32
      %select_n3A_84 = arith.select %eq3A_82, %select_n3A_83, %select_n3A_80 : i32
      %add3A_85 = arith.addi %select_n3A_84, %mul3A_6 : i32
      %add3A_86 = arith.constant 1 : i32
      %add3A_87 = arith.addi %select_n3A_75, %add3A_86 : i32
      %select_n3A_88 = arith.constant true
      %select_n3A_89 = arith.select %select_n3A_88, %add3A_87, %select_n3A_75 : i32
      %eq3A_90 = arith.constant 4 : i32
      %eq3A_91 = arith.cmpi eq, %select_n3A_89, %eq3A_90 : i32
      %select_n3A_92 = arith.constant 0 : i32
      %select_n3A_93 = arith.select %eq3A_91, %select_n3A_92, %select_n3A_89 : i32
      %add3A_94 = arith.addi %select_n3A_93, %mul3A_6 : i32
      %add3A_95 = arith.constant 1 : i32
      %add3A_96 = arith.addi %select_n3A_93, %add3A_95 : i32
      %select_n3A_97 = arith.constant true
      %select_n3A_98 = arith.select %select_n3A_97, %add3A_96, %select_n3A_93 : i32
      %eq3A_99 = arith.constant 4 : i32
      %eq3A_100 = arith.cmpi eq, %select_n3A_98, %eq3A_99 : i32
      %select_n3A_101 = arith.constant 0 : i32
      %select_n3A_102 = arith.select %eq3A_100, %select_n3A_101, %select_n3A_98 : i32
      %add3A_103 = arith.addi %select_n3A_102, %mul3A_6 : i32
      "tpu.trace_start"() <{level = 10 : i32, message = "ep_finalize"}> : () -> ()
      %rem3A_104 = arith.constant 2 : i32
      %rem3A_105 = arith.remui %scan3A_67#3, %rem3A_104 : i32
      %mul3A_106 = arith.constant 128 : i32
      %mul3A_107 = arith.muli %mul3A_106, %add3A_76 : i32
      %dma_wait3A = arith.constant 0 : i32
      %dma_wait3A_108 = arith.constant 0 : i32
      %dma_wait3A_109 = tpu.memref_slice %run_scoped3A_8[%rem3A_105, %dma_wait3A, %dma_wait3A_108] : memref<2x128x256xf32, #tpu.memory_space<vmem>> -> memref<1x128x256xf32, #tpu.memory_space<vmem>>
      %dma_wait3A_110 = tpu.memref_squeeze %dma_wait3A_109 : memref<1x128x256xf32, #tpu.memory_space<vmem>> -> memref<128x256xf32, #tpu.memory_space<vmem>>
      %dma_wait3A_111 = arith.constant 0 : i32
      %dma_wait3A_112 = tpu.memref_slice %arg4[%mul3A_107, %dma_wait3A_111] : memref<16384x256xf32, #tpu.memory_space<hbm>> -> memref<128x256xf32, #tpu.memory_space<hbm>>
      %dma_wait3A_113 = tpu.memref_slice %run_scoped3A_9[%rem3A_105] : memref<2x!tpu.dma_semaphore, #tpu.memory_space<semaphore_mem>> -> memref<1x!tpu.dma_semaphore, #tpu.memory_space<semaphore_mem>>
      %dma_wait3A_114 = tpu.memref_squeeze %dma_wait3A_113 : memref<1x!tpu.dma_semaphore, #tpu.memory_space<semaphore_mem>> -> memref<!tpu.dma_semaphore, #tpu.memory_space<semaphore_mem>>
      %dma_wait3A_115 = arith.constant 0 : i32
      %dma_wait3A_116 = tpu.memref_slice %arg4[%mul3A_107, %dma_wait3A_115] : memref<16384x256xf32, #tpu.memory_space<hbm>> -> memref<128x256xf32, #tpu.memory_space<hbm>>
      %dma_wait3A_117 = arith.constant 0 : i32
      %dma_wait3A_118 = arith.constant 0 : i32
      %dma_wait3A_119 = tpu.memref_slice %run_scoped3A_8[%rem3A_105, %dma_wait3A_117, %dma_wait3A_118] : memref<2x128x256xf32, #tpu.memory_space<vmem>> -> memref<1x128x256xf32, #tpu.memory_space<vmem>>
      %dma_wait3A_120 = tpu.memref_squeeze %dma_wait3A_119 : memref<1x128x256xf32, #tpu.memory_space<vmem>> -> memref<128x256xf32, #tpu.memory_space<vmem>>
      tpu.wait_dma2 semaphore(%dma_wait3A_114 : memref<!tpu.dma_semaphore, #tpu.memory_space<semaphore_mem>>) src(%dma_wait3A_120 : memref<128x256xf32, #tpu.memory_space<vmem>>) dst(%dma_wait3A_116 : memref<128x256xf32, #tpu.memory_space<hbm>>)
      "tpu.trace_stop"() : () -> ()
      tpu.yield
    }) : () -> ()
    return
  }
}

module attributes {stable_mosaic.version = 14 : i64} {
  func.func @_tc_body(%arg0: i32, %arg1: memref<256x256xf32, #tpu.memory_space<vmem>>, %arg2: memref<8192x256xf32, #tpu.memory_space<vmem>>, %arg3: memref<256x1xf32, #tpu.memory_space<vmem>>, %arg4: memref<1x8192xf32, #tpu.memory_space<vmem>>, %arg5: memref<1x1x256xi32, #tpu.memory_space<vmem>>, %arg6: memref<1x1xf32, #tpu.memory_space<vmem>>, %arg7: memref<1x1xf32, #tpu.memory_space<vmem>>, %arg8: memref<1x1xf32, #tpu.memory_space<vmem>>) attributes {dimension_semantics = [#tpu.dimension_semantics<arbitrary>], iteration_bounds = array<i64: 64>, scalar_prefetch = 0 : i64, scratch_operands = 0 : i64, tpu.core_type = #tpu.core_type<tc>, window_params = [{transform_indices = @transform_0, window_bounds = array<i64: 256, 256>}, {pipeline_mode = #tpu.pipeline_mode<synchronous>, transform_indices = @transform_1, window_bounds = array<i64: 8192, 256>}, {transform_indices = @transform_2, window_bounds = array<i64: 256, 1>}, {pipeline_mode = #tpu.pipeline_mode<synchronous>, transform_indices = @transform_3, window_bounds = array<i64: 1, 8192>}, {transform_indices = @transform_4, window_bounds = array<i64: 1, 1, 256>}, {pipeline_mode = #tpu.pipeline_mode<synchronous>, transform_indices = @transform_5, window_bounds = array<i64: 1, 1>}, {pipeline_mode = #tpu.pipeline_mode<synchronous>, transform_indices = @transform_6, window_bounds = array<i64: 1, 1>}, {pipeline_mode = #tpu.pipeline_mode<synchronous>, transform_indices = @transform_7, window_bounds = array<i64: 1, 1>}]} {
    %get3A = arith.constant 0 : index
    %get3A_0 = arith.constant 0 : index
    %get3A_1 = vector.load %arg1[%get3A, %get3A_0] : memref<256x256xf32, #tpu.memory_space<vmem>>, vector<256x256xf32>
    %get3A_2 = arith.constant 0 : index
    %get3A_3 = arith.constant 0 : index
    %get3A_4 = vector.load %arg3[%get3A_2, %get3A_3] : memref<256x1xf32, #tpu.memory_space<vmem>>, vector<256x1xf32>
    %broadcast_in_dim3A = arith.constant 0x7F800000 : f32
    %broadcast_in_dim3A_5 = vector.broadcast %broadcast_in_dim3A : f32 to vector<256x1xf32>
    %broadcast_in_dim3A_6 = arith.constant 0.000000e+00 : f32
    %broadcast_in_dim3A_7 = vector.broadcast %broadcast_in_dim3A_6 : f32 to vector<256x1xf32>
    %broadcast_in_dim3A_8 = arith.constant 0x7F800000 : f32
    %broadcast_in_dim3A_9 = vector.broadcast %broadcast_in_dim3A_8 : f32 to vector<256x1xf32>
    %broadcast_in_dim3A_10 = arith.constant 0x7F800000 : f32
    %broadcast_in_dim3A_11 = vector.broadcast %broadcast_in_dim3A_10 : f32 to vector<256x1xf32>
    %broadcast_in_dim3A_12 = arith.constant 0.000000e+00 : f32
    %broadcast_in_dim3A_13 = vector.broadcast %broadcast_in_dim3A_12 : f32 to vector<256x1xf32>
    %iota3A = tpu.iota {dimensions = array<i32: 1>} : vector<256x512xi32>
    %convert_element_type3A = arith.sitofp %iota3A : vector<256x512xi32> to vector<256x512xf32>
    %get3A_14 = arith.constant 0 : index
    %get3A_15 = arith.constant 0 : index
    %get3A_16 = vector.load %arg2[%get3A_14, %get3A_15] : memref<8192x256xf32, #tpu.memory_space<vmem>>, vector<512x256xf32>
    %dot_general3A = arith.constant dense<0.000000e+00> : vector<256x512xf32>
    %dot_general3A_17 = tpu.matmul %get3A_1, %get3A_16, %dot_general3A {dimension_numbers = #tpu.dot_dimension_numbers<[1], [1], [0], [0], [0, 0, 1, 0], [], []>, transpose_lhs_hint = false} : vector<256x256xf32>, vector<512x256xf32>, vector<256x512xf32> -> vector<256x512xf32>
    %get3A_18 = arith.constant 0 : index
    %get3A_19 = arith.constant 0 : index
    %get3A_20 = vector.load %arg4[%get3A_18, %get3A_19] : memref<1x8192xf32, #tpu.memory_space<vmem>>, vector<1x512xf32>
    %add3A = vector.broadcast %get3A_4 : vector<256x1xf32> to vector<256x512xf32>
    %add3A_21 = vector.broadcast %get3A_20 : vector<1x512xf32> to vector<256x512xf32>
    %add3A_22 = arith.addf %add3A, %add3A_21 : vector<256x512xf32>
    %mul3A = arith.constant 2.000000e+00 : f32
    %mul3A_23 = vector.broadcast %mul3A : f32 to vector<256x512xf32>
    %mul3A_24 = arith.mulf %mul3A_23, %dot_general3A_17 : vector<256x512xf32>
    %sub3A = arith.subf %add3A_22, %mul3A_24 : vector<256x512xf32>
    %max3A = arith.constant 0.000000e+00 : f32
    %max3A_25 = vector.broadcast %max3A : f32 to vector<256x512xf32>
    %max3A_26 = arith.maximumf %sub3A, %max3A_25 : vector<256x512xf32>
    %sqrt3A = math.sqrt %max3A_26 : vector<256x512xf32>
    %slice3A = vector.extract_strided_slice %sqrt3A {offsets = [0, 0], sizes = [256, 256], strides = [1, 1]} : vector<256x512xf32> to vector<256x256xf32>
    %slice3A_27 = vector.extract_strided_slice %sqrt3A {offsets = [0, 256], sizes = [256, 256], strides = [1, 1]} : vector<256x512xf32> to vector<256x256xf32>
    %min3A = arith.minimumf %slice3A, %slice3A_27 : vector<256x256xf32>
    %slice3A_28 = vector.extract_strided_slice %min3A {offsets = [0, 0], sizes = [256, 128], strides = [1, 1]} : vector<256x256xf32> to vector<256x128xf32>
    %slice3A_29 = vector.extract_strided_slice %min3A {offsets = [0, 128], sizes = [256, 128], strides = [1, 1]} : vector<256x256xf32> to vector<256x128xf32>
    %min3A_30 = arith.minimumf %slice3A_28, %slice3A_29 : vector<256x128xf32>
    %reduce_min3A = arith.constant dense<0x7F800000> : vector<256xf32>
    %reduce_min3A_31 = vector.multi_reduction <minimumf>, %min3A_30, %reduce_min3A [1] : vector<256x128xf32> to vector<256xf32>
    %broadcast_in_dim3A_32 = vector.shape_cast %reduce_min3A_31 : vector<256xf32> to vector<256x1xf32>
    %eq3A = vector.broadcast %broadcast_in_dim3A_32 : vector<256x1xf32> to vector<256x512xf32>
    %eq3A_33 = arith.cmpf oeq, %sqrt3A, %eq3A : vector<256x512xf32>
    %jit3A = arith.constant 8.192000e+03 : f32
    %broadcast_in_dim3A_34 = vector.broadcast %jit3A : f32 to vector<256x512xf32>
    %select_n3A = arith.select %eq3A_33, %convert_element_type3A, %broadcast_in_dim3A_34 : vector<256x512xi1>, vector<256x512xf32>
    %slice3A_35 = vector.extract_strided_slice %select_n3A {offsets = [0, 0], sizes = [256, 256], strides = [1, 1]} : vector<256x512xf32> to vector<256x256xf32>
    %slice3A_36 = vector.extract_strided_slice %select_n3A {offsets = [0, 256], sizes = [256, 256], strides = [1, 1]} : vector<256x512xf32> to vector<256x256xf32>
    %min3A_37 = arith.minimumf %slice3A_35, %slice3A_36 : vector<256x256xf32>
    %slice3A_38 = vector.extract_strided_slice %min3A_37 {offsets = [0, 0], sizes = [256, 128], strides = [1, 1]} : vector<256x256xf32> to vector<256x128xf32>
    %slice3A_39 = vector.extract_strided_slice %min3A_37 {offsets = [0, 128], sizes = [256, 128], strides = [1, 1]} : vector<256x256xf32> to vector<256x128xf32>
    %min3A_40 = arith.minimumf %slice3A_38, %slice3A_39 : vector<256x128xf32>
    %reduce_min3A_41 = arith.constant dense<0x7F800000> : vector<256xf32>
    %reduce_min3A_42 = vector.multi_reduction <minimumf>, %min3A_40, %reduce_min3A_41 [1] : vector<256x128xf32> to vector<256xf32>
    %broadcast_in_dim3A_43 = vector.shape_cast %reduce_min3A_42 : vector<256xf32> to vector<256x1xf32>
    %add3A_44 = arith.constant 0.000000e+00 : f32
    %add3A_45 = vector.broadcast %add3A_44 : f32 to vector<256x1xf32>
    %add3A_46 = arith.addf %broadcast_in_dim3A_43, %add3A_45 : vector<256x1xf32>
    %lt3A = arith.cmpf olt, %broadcast_in_dim3A_32, %broadcast_in_dim3A_5 : vector<256x1xf32>
    %select_n3A_47 = arith.select %lt3A, %broadcast_in_dim3A_32, %broadcast_in_dim3A_5 : vector<256x1xi1>, vector<256x1xf32>
    %select_n3A_48 = arith.select %lt3A, %add3A_46, %broadcast_in_dim3A_7 : vector<256x1xi1>, vector<256x1xf32>
    %get3A_49 = arith.constant 512 : index
    %get3A_50 = arith.constant 0 : index
    %get3A_51 = vector.load %arg2[%get3A_49, %get3A_50] : memref<8192x256xf32, #tpu.memory_space<vmem>>, vector<512x256xf32>
    %dot_general3A_52 = arith.constant dense<0.000000e+00> : vector<256x512xf32>
    %dot_general3A_53 = tpu.matmul %get3A_1, %get3A_51, %dot_general3A_52 {dimension_numbers = #tpu.dot_dimension_numbers<[1], [1], [0], [0], [0, 0, 1, 0], [], []>, transpose_lhs_hint = false} : vector<256x256xf32>, vector<512x256xf32>, vector<256x512xf32> -> vector<256x512xf32>
    %get3A_54 = arith.constant 0 : index
    %get3A_55 = arith.constant 512 : index
    %get3A_56 = vector.load %arg4[%get3A_54, %get3A_55] : memref<1x8192xf32, #tpu.memory_space<vmem>>, vector<1x512xf32>
    %add3A_57 = vector.broadcast %get3A_4 : vector<256x1xf32> to vector<256x512xf32>
    %add3A_58 = vector.broadcast %get3A_56 : vector<1x512xf32> to vector<256x512xf32>
    %add3A_59 = arith.addf %add3A_57, %add3A_58 : vector<256x512xf32>
    %mul3A_60 = arith.constant 2.000000e+00 : f32
    %mul3A_61 = vector.broadcast %mul3A_60 : f32 to vector<256x512xf32>
    %mul3A_62 = arith.mulf %mul3A_61, %dot_general3A_53 : vector<256x512xf32>
    %sub3A_63 = arith.subf %add3A_59, %mul3A_62 : vector<256x512xf32>
    %max3A_64 = arith.constant 0.000000e+00 : f32
    %max3A_65 = vector.broadcast %max3A_64 : f32 to vector<256x512xf32>
    %max3A_66 = arith.maximumf %sub3A_63, %max3A_65 : vector<256x512xf32>
    %sqrt3A_67 = math.sqrt %max3A_66 : vector<256x512xf32>
    %slice3A_68 = vector.extract_strided_slice %sqrt3A_67 {offsets = [0, 0], sizes = [256, 256], strides = [1, 1]} : vector<256x512xf32> to vector<256x256xf32>
    %slice3A_69 = vector.extract_strided_slice %sqrt3A_67 {offsets = [0, 256], sizes = [256, 256], strides = [1, 1]} : vector<256x512xf32> to vector<256x256xf32>
    %min3A_70 = arith.minimumf %slice3A_68, %slice3A_69 : vector<256x256xf32>
    %slice3A_71 = vector.extract_strided_slice %min3A_70 {offsets = [0, 0], sizes = [256, 128], strides = [1, 1]} : vector<256x256xf32> to vector<256x128xf32>
    %slice3A_72 = vector.extract_strided_slice %min3A_70 {offsets = [0, 128], sizes = [256, 128], strides = [1, 1]} : vector<256x256xf32> to vector<256x128xf32>
    %min3A_73 = arith.minimumf %slice3A_71, %slice3A_72 : vector<256x128xf32>
    %reduce_min3A_74 = arith.constant dense<0x7F800000> : vector<256xf32>
    %reduce_min3A_75 = vector.multi_reduction <minimumf>, %min3A_73, %reduce_min3A_74 [1] : vector<256x128xf32> to vector<256xf32>
    %broadcast_in_dim3A_76 = vector.shape_cast %reduce_min3A_75 : vector<256xf32> to vector<256x1xf32>
    %eq3A_77 = vector.broadcast %broadcast_in_dim3A_76 : vector<256x1xf32> to vector<256x512xf32>
    %eq3A_78 = arith.cmpf oeq, %sqrt3A_67, %eq3A_77 : vector<256x512xf32>
    %jit3A_79 = arith.constant 8.192000e+03 : f32
    %broadcast_in_dim3A_80 = vector.broadcast %jit3A_79 : f32 to vector<256x512xf32>
    %select_n3A_81 = arith.select %eq3A_78, %convert_element_type3A, %broadcast_in_dim3A_80 : vector<256x512xi1>, vector<256x512xf32>
    %slice3A_82 = vector.extract_strided_slice %select_n3A_81 {offsets = [0, 0], sizes = [256, 256], strides = [1, 1]} : vector<256x512xf32> to vector<256x256xf32>
    %slice3A_83 = vector.extract_strided_slice %select_n3A_81 {offsets = [0, 256], sizes = [256, 256], strides = [1, 1]} : vector<256x512xf32> to vector<256x256xf32>
    %min3A_84 = arith.minimumf %slice3A_82, %slice3A_83 : vector<256x256xf32>
    %slice3A_85 = vector.extract_strided_slice %min3A_84 {offsets = [0, 0], sizes = [256, 128], strides = [1, 1]} : vector<256x256xf32> to vector<256x128xf32>
    %slice3A_86 = vector.extract_strided_slice %min3A_84 {offsets = [0, 128], sizes = [256, 128], strides = [1, 1]} : vector<256x256xf32> to vector<256x128xf32>
    %min3A_87 = arith.minimumf %slice3A_85, %slice3A_86 : vector<256x128xf32>
    %reduce_min3A_88 = arith.constant dense<0x7F800000> : vector<256xf32>
    %reduce_min3A_89 = vector.multi_reduction <minimumf>, %min3A_87, %reduce_min3A_88 [1] : vector<256x128xf32> to vector<256xf32>
    %broadcast_in_dim3A_90 = vector.shape_cast %reduce_min3A_89 : vector<256xf32> to vector<256x1xf32>
    %add3A_91 = arith.constant 5.120000e+02 : f32
    %add3A_92 = vector.broadcast %add3A_91 : f32 to vector<256x1xf32>
    %add3A_93 = arith.addf %broadcast_in_dim3A_90, %add3A_92 : vector<256x1xf32>
    %lt3A_94 = arith.cmpf olt, %broadcast_in_dim3A_76, %select_n3A_47 : vector<256x1xf32>
    %select_n3A_95 = arith.select %lt3A_94, %broadcast_in_dim3A_76, %select_n3A_47 : vector<256x1xi1>, vector<256x1xf32>
    %select_n3A_96 = arith.select %lt3A_94, %add3A_93, %select_n3A_48 : vector<256x1xi1>, vector<256x1xf32>
    %get3A_97 = arith.constant 1024 : index
    %get3A_98 = arith.constant 0 : index
    %get3A_99 = vector.load %arg2[%get3A_97, %get3A_98] : memref<8192x256xf32, #tpu.memory_space<vmem>>, vector<512x256xf32>
    %dot_general3A_100 = arith.constant dense<0.000000e+00> : vector<256x512xf32>
    %dot_general3A_101 = tpu.matmul %get3A_1, %get3A_99, %dot_general3A_100 {dimension_numbers = #tpu.dot_dimension_numbers<[1], [1], [0], [0], [0, 0, 1, 0], [], []>, transpose_lhs_hint = false} : vector<256x256xf32>, vector<512x256xf32>, vector<256x512xf32> -> vector<256x512xf32>
    %get3A_102 = arith.constant 0 : index
    %get3A_103 = arith.constant 1024 : index
    %get3A_104 = vector.load %arg4[%get3A_102, %get3A_103] : memref<1x8192xf32, #tpu.memory_space<vmem>>, vector<1x512xf32>
    %add3A_105 = vector.broadcast %get3A_4 : vector<256x1xf32> to vector<256x512xf32>
    %add3A_106 = vector.broadcast %get3A_104 : vector<1x512xf32> to vector<256x512xf32>
    %add3A_107 = arith.addf %add3A_105, %add3A_106 : vector<256x512xf32>
    %mul3A_108 = arith.constant 2.000000e+00 : f32
    %mul3A_109 = vector.broadcast %mul3A_108 : f32 to vector<256x512xf32>
    %mul3A_110 = arith.mulf %mul3A_109, %dot_general3A_101 : vector<256x512xf32>
    %sub3A_111 = arith.subf %add3A_107, %mul3A_110 : vector<256x512xf32>
    %max3A_112 = arith.constant 0.000000e+00 : f32
    %max3A_113 = vector.broadcast %max3A_112 : f32 to vector<256x512xf32>
    %max3A_114 = arith.maximumf %sub3A_111, %max3A_113 : vector<256x512xf32>
    %sqrt3A_115 = math.sqrt %max3A_114 : vector<256x512xf32>
    %slice3A_116 = vector.extract_strided_slice %sqrt3A_115 {offsets = [0, 0], sizes = [256, 256], strides = [1, 1]} : vector<256x512xf32> to vector<256x256xf32>
    %slice3A_117 = vector.extract_strided_slice %sqrt3A_115 {offsets = [0, 256], sizes = [256, 256], strides = [1, 1]} : vector<256x512xf32> to vector<256x256xf32>
    %min3A_118 = arith.minimumf %slice3A_116, %slice3A_117 : vector<256x256xf32>
    %slice3A_119 = vector.extract_strided_slice %min3A_118 {offsets = [0, 0], sizes = [256, 128], strides = [1, 1]} : vector<256x256xf32> to vector<256x128xf32>
    %slice3A_120 = vector.extract_strided_slice %min3A_118 {offsets = [0, 128], sizes = [256, 128], strides = [1, 1]} : vector<256x256xf32> to vector<256x128xf32>
    %min3A_121 = arith.minimumf %slice3A_119, %slice3A_120 : vector<256x128xf32>
    %reduce_min3A_122 = arith.constant dense<0x7F800000> : vector<256xf32>
    %reduce_min3A_123 = vector.multi_reduction <minimumf>, %min3A_121, %reduce_min3A_122 [1] : vector<256x128xf32> to vector<256xf32>
    %broadcast_in_dim3A_124 = vector.shape_cast %reduce_min3A_123 : vector<256xf32> to vector<256x1xf32>
    %eq3A_125 = vector.broadcast %broadcast_in_dim3A_124 : vector<256x1xf32> to vector<256x512xf32>
    %eq3A_126 = arith.cmpf oeq, %sqrt3A_115, %eq3A_125 : vector<256x512xf32>
    %jit3A_127 = arith.constant 8.192000e+03 : f32
    %broadcast_in_dim3A_128 = vector.broadcast %jit3A_127 : f32 to vector<256x512xf32>
    %select_n3A_129 = arith.select %eq3A_126, %convert_element_type3A, %broadcast_in_dim3A_128 : vector<256x512xi1>, vector<256x512xf32>
    %slice3A_130 = vector.extract_strided_slice %select_n3A_129 {offsets = [0, 0], sizes = [256, 256], strides = [1, 1]} : vector<256x512xf32> to vector<256x256xf32>
    %slice3A_131 = vector.extract_strided_slice %select_n3A_129 {offsets = [0, 256], sizes = [256, 256], strides = [1, 1]} : vector<256x512xf32> to vector<256x256xf32>
    %min3A_132 = arith.minimumf %slice3A_130, %slice3A_131 : vector<256x256xf32>
    %slice3A_133 = vector.extract_strided_slice %min3A_132 {offsets = [0, 0], sizes = [256, 128], strides = [1, 1]} : vector<256x256xf32> to vector<256x128xf32>
    %slice3A_134 = vector.extract_strided_slice %min3A_132 {offsets = [0, 128], sizes = [256, 128], strides = [1, 1]} : vector<256x256xf32> to vector<256x128xf32>
    %min3A_135 = arith.minimumf %slice3A_133, %slice3A_134 : vector<256x128xf32>
    %reduce_min3A_136 = arith.constant dense<0x7F800000> : vector<256xf32>
    %reduce_min3A_137 = vector.multi_reduction <minimumf>, %min3A_135, %reduce_min3A_136 [1] : vector<256x128xf32> to vector<256xf32>
    %broadcast_in_dim3A_138 = vector.shape_cast %reduce_min3A_137 : vector<256xf32> to vector<256x1xf32>
    %add3A_139 = arith.constant 1.024000e+03 : f32
    %add3A_140 = vector.broadcast %add3A_139 : f32 to vector<256x1xf32>
    %add3A_141 = arith.addf %broadcast_in_dim3A_138, %add3A_140 : vector<256x1xf32>
    %lt3A_142 = arith.cmpf olt, %broadcast_in_dim3A_124, %select_n3A_95 : vector<256x1xf32>
    %select_n3A_143 = arith.select %lt3A_142, %broadcast_in_dim3A_124, %select_n3A_95 : vector<256x1xi1>, vector<256x1xf32>
    %select_n3A_144 = arith.select %lt3A_142, %add3A_141, %select_n3A_96 : vector<256x1xi1>, vector<256x1xf32>
    %get3A_145 = arith.constant 1536 : index
    %get3A_146 = arith.constant 0 : index
    %get3A_147 = vector.load %arg2[%get3A_145, %get3A_146] : memref<8192x256xf32, #tpu.memory_space<vmem>>, vector<512x256xf32>
    %dot_general3A_148 = arith.constant dense<0.000000e+00> : vector<256x512xf32>
    %dot_general3A_149 = tpu.matmul %get3A_1, %get3A_147, %dot_general3A_148 {dimension_numbers = #tpu.dot_dimension_numbers<[1], [1], [0], [0], [0, 0, 1, 0], [], []>, transpose_lhs_hint = false} : vector<256x256xf32>, vector<512x256xf32>, vector<256x512xf32> -> vector<256x512xf32>
    %get3A_150 = arith.constant 0 : index
    %get3A_151 = arith.constant 1536 : index
    %get3A_152 = vector.load %arg4[%get3A_150, %get3A_151] : memref<1x8192xf32, #tpu.memory_space<vmem>>, vector<1x512xf32>
    %add3A_153 = vector.broadcast %get3A_4 : vector<256x1xf32> to vector<256x512xf32>
    %add3A_154 = vector.broadcast %get3A_152 : vector<1x512xf32> to vector<256x512xf32>
    %add3A_155 = arith.addf %add3A_153, %add3A_154 : vector<256x512xf32>
    %mul3A_156 = arith.constant 2.000000e+00 : f32
    %mul3A_157 = vector.broadcast %mul3A_156 : f32 to vector<256x512xf32>
    %mul3A_158 = arith.mulf %mul3A_157, %dot_general3A_149 : vector<256x512xf32>
    %sub3A_159 = arith.subf %add3A_155, %mul3A_158 : vector<256x512xf32>
    %max3A_160 = arith.constant 0.000000e+00 : f32
    %max3A_161 = vector.broadcast %max3A_160 : f32 to vector<256x512xf32>
    %max3A_162 = arith.maximumf %sub3A_159, %max3A_161 : vector<256x512xf32>
    %sqrt3A_163 = math.sqrt %max3A_162 : vector<256x512xf32>
    %slice3A_164 = vector.extract_strided_slice %sqrt3A_163 {offsets = [0, 0], sizes = [256, 256], strides = [1, 1]} : vector<256x512xf32> to vector<256x256xf32>
    %slice3A_165 = vector.extract_strided_slice %sqrt3A_163 {offsets = [0, 256], sizes = [256, 256], strides = [1, 1]} : vector<256x512xf32> to vector<256x256xf32>
    %min3A_166 = arith.minimumf %slice3A_164, %slice3A_165 : vector<256x256xf32>
    %slice3A_167 = vector.extract_strided_slice %min3A_166 {offsets = [0, 0], sizes = [256, 128], strides = [1, 1]} : vector<256x256xf32> to vector<256x128xf32>
    %slice3A_168 = vector.extract_strided_slice %min3A_166 {offsets = [0, 128], sizes = [256, 128], strides = [1, 1]} : vector<256x256xf32> to vector<256x128xf32>
    %min3A_169 = arith.minimumf %slice3A_167, %slice3A_168 : vector<256x128xf32>
    %reduce_min3A_170 = arith.constant dense<0x7F800000> : vector<256xf32>
    %reduce_min3A_171 = vector.multi_reduction <minimumf>, %min3A_169, %reduce_min3A_170 [1] : vector<256x128xf32> to vector<256xf32>
    %broadcast_in_dim3A_172 = vector.shape_cast %reduce_min3A_171 : vector<256xf32> to vector<256x1xf32>
    %eq3A_173 = vector.broadcast %broadcast_in_dim3A_172 : vector<256x1xf32> to vector<256x512xf32>
    %eq3A_174 = arith.cmpf oeq, %sqrt3A_163, %eq3A_173 : vector<256x512xf32>
    %jit3A_175 = arith.constant 8.192000e+03 : f32
    %broadcast_in_dim3A_176 = vector.broadcast %jit3A_175 : f32 to vector<256x512xf32>
    %select_n3A_177 = arith.select %eq3A_174, %convert_element_type3A, %broadcast_in_dim3A_176 : vector<256x512xi1>, vector<256x512xf32>
    %slice3A_178 = vector.extract_strided_slice %select_n3A_177 {offsets = [0, 0], sizes = [256, 256], strides = [1, 1]} : vector<256x512xf32> to vector<256x256xf32>
    %slice3A_179 = vector.extract_strided_slice %select_n3A_177 {offsets = [0, 256], sizes = [256, 256], strides = [1, 1]} : vector<256x512xf32> to vector<256x256xf32>
    %min3A_180 = arith.minimumf %slice3A_178, %slice3A_179 : vector<256x256xf32>
    %slice3A_181 = vector.extract_strided_slice %min3A_180 {offsets = [0, 0], sizes = [256, 128], strides = [1, 1]} : vector<256x256xf32> to vector<256x128xf32>
    %slice3A_182 = vector.extract_strided_slice %min3A_180 {offsets = [0, 128], sizes = [256, 128], strides = [1, 1]} : vector<256x256xf32> to vector<256x128xf32>
    %min3A_183 = arith.minimumf %slice3A_181, %slice3A_182 : vector<256x128xf32>
    %reduce_min3A_184 = arith.constant dense<0x7F800000> : vector<256xf32>
    %reduce_min3A_185 = vector.multi_reduction <minimumf>, %min3A_183, %reduce_min3A_184 [1] : vector<256x128xf32> to vector<256xf32>
    %broadcast_in_dim3A_186 = vector.shape_cast %reduce_min3A_185 : vector<256xf32> to vector<256x1xf32>
    %add3A_187 = arith.constant 1.536000e+03 : f32
    %add3A_188 = vector.broadcast %add3A_187 : f32 to vector<256x1xf32>
    %add3A_189 = arith.addf %broadcast_in_dim3A_186, %add3A_188 : vector<256x1xf32>
    %lt3A_190 = arith.cmpf olt, %broadcast_in_dim3A_172, %select_n3A_143 : vector<256x1xf32>
    %select_n3A_191 = arith.select %lt3A_190, %broadcast_in_dim3A_172, %select_n3A_143 : vector<256x1xi1>, vector<256x1xf32>
    %select_n3A_192 = arith.select %lt3A_190, %add3A_189, %select_n3A_144 : vector<256x1xi1>, vector<256x1xf32>
    %get3A_193 = arith.constant 2048 : index
    %get3A_194 = arith.constant 0 : index
    %get3A_195 = vector.load %arg2[%get3A_193, %get3A_194] : memref<8192x256xf32, #tpu.memory_space<vmem>>, vector<512x256xf32>
    %dot_general3A_196 = arith.constant dense<0.000000e+00> : vector<256x512xf32>
    %dot_general3A_197 = tpu.matmul %get3A_1, %get3A_195, %dot_general3A_196 {dimension_numbers = #tpu.dot_dimension_numbers<[1], [1], [0], [0], [0, 0, 1, 0], [], []>, transpose_lhs_hint = false} : vector<256x256xf32>, vector<512x256xf32>, vector<256x512xf32> -> vector<256x512xf32>
    %get3A_198 = arith.constant 0 : index
    %get3A_199 = arith.constant 2048 : index
    %get3A_200 = vector.load %arg4[%get3A_198, %get3A_199] : memref<1x8192xf32, #tpu.memory_space<vmem>>, vector<1x512xf32>
    %add3A_201 = vector.broadcast %get3A_4 : vector<256x1xf32> to vector<256x512xf32>
    %add3A_202 = vector.broadcast %get3A_200 : vector<1x512xf32> to vector<256x512xf32>
    %add3A_203 = arith.addf %add3A_201, %add3A_202 : vector<256x512xf32>
    %mul3A_204 = arith.constant 2.000000e+00 : f32
    %mul3A_205 = vector.broadcast %mul3A_204 : f32 to vector<256x512xf32>
    %mul3A_206 = arith.mulf %mul3A_205, %dot_general3A_197 : vector<256x512xf32>
    %sub3A_207 = arith.subf %add3A_203, %mul3A_206 : vector<256x512xf32>
    %max3A_208 = arith.constant 0.000000e+00 : f32
    %max3A_209 = vector.broadcast %max3A_208 : f32 to vector<256x512xf32>
    %max3A_210 = arith.maximumf %sub3A_207, %max3A_209 : vector<256x512xf32>
    %sqrt3A_211 = math.sqrt %max3A_210 : vector<256x512xf32>
    %slice3A_212 = vector.extract_strided_slice %sqrt3A_211 {offsets = [0, 0], sizes = [256, 256], strides = [1, 1]} : vector<256x512xf32> to vector<256x256xf32>
    %slice3A_213 = vector.extract_strided_slice %sqrt3A_211 {offsets = [0, 256], sizes = [256, 256], strides = [1, 1]} : vector<256x512xf32> to vector<256x256xf32>
    %min3A_214 = arith.minimumf %slice3A_212, %slice3A_213 : vector<256x256xf32>
    %slice3A_215 = vector.extract_strided_slice %min3A_214 {offsets = [0, 0], sizes = [256, 128], strides = [1, 1]} : vector<256x256xf32> to vector<256x128xf32>
    %slice3A_216 = vector.extract_strided_slice %min3A_214 {offsets = [0, 128], sizes = [256, 128], strides = [1, 1]} : vector<256x256xf32> to vector<256x128xf32>
    %min3A_217 = arith.minimumf %slice3A_215, %slice3A_216 : vector<256x128xf32>
    %reduce_min3A_218 = arith.constant dense<0x7F800000> : vector<256xf32>
    %reduce_min3A_219 = vector.multi_reduction <minimumf>, %min3A_217, %reduce_min3A_218 [1] : vector<256x128xf32> to vector<256xf32>
    %broadcast_in_dim3A_220 = vector.shape_cast %reduce_min3A_219 : vector<256xf32> to vector<256x1xf32>
    %eq3A_221 = vector.broadcast %broadcast_in_dim3A_220 : vector<256x1xf32> to vector<256x512xf32>
    %eq3A_222 = arith.cmpf oeq, %sqrt3A_211, %eq3A_221 : vector<256x512xf32>
    %jit3A_223 = arith.constant 8.192000e+03 : f32
    %broadcast_in_dim3A_224 = vector.broadcast %jit3A_223 : f32 to vector<256x512xf32>
    %select_n3A_225 = arith.select %eq3A_222, %convert_element_type3A, %broadcast_in_dim3A_224 : vector<256x512xi1>, vector<256x512xf32>
    %slice3A_226 = vector.extract_strided_slice %select_n3A_225 {offsets = [0, 0], sizes = [256, 256], strides = [1, 1]} : vector<256x512xf32> to vector<256x256xf32>
    %slice3A_227 = vector.extract_strided_slice %select_n3A_225 {offsets = [0, 256], sizes = [256, 256], strides = [1, 1]} : vector<256x512xf32> to vector<256x256xf32>
    %min3A_228 = arith.minimumf %slice3A_226, %slice3A_227 : vector<256x256xf32>
    %slice3A_229 = vector.extract_strided_slice %min3A_228 {offsets = [0, 0], sizes = [256, 128], strides = [1, 1]} : vector<256x256xf32> to vector<256x128xf32>
    %slice3A_230 = vector.extract_strided_slice %min3A_228 {offsets = [0, 128], sizes = [256, 128], strides = [1, 1]} : vector<256x256xf32> to vector<256x128xf32>
    %min3A_231 = arith.minimumf %slice3A_229, %slice3A_230 : vector<256x128xf32>
    %reduce_min3A_232 = arith.constant dense<0x7F800000> : vector<256xf32>
    %reduce_min3A_233 = vector.multi_reduction <minimumf>, %min3A_231, %reduce_min3A_232 [1] : vector<256x128xf32> to vector<256xf32>
    %broadcast_in_dim3A_234 = vector.shape_cast %reduce_min3A_233 : vector<256xf32> to vector<256x1xf32>
    %add3A_235 = arith.constant 2.048000e+03 : f32
    %add3A_236 = vector.broadcast %add3A_235 : f32 to vector<256x1xf32>
    %add3A_237 = arith.addf %broadcast_in_dim3A_234, %add3A_236 : vector<256x1xf32>
    %lt3A_238 = arith.cmpf olt, %broadcast_in_dim3A_220, %select_n3A_191 : vector<256x1xf32>
    %select_n3A_239 = arith.select %lt3A_238, %broadcast_in_dim3A_220, %select_n3A_191 : vector<256x1xi1>, vector<256x1xf32>
    %select_n3A_240 = arith.select %lt3A_238, %add3A_237, %select_n3A_192 : vector<256x1xi1>, vector<256x1xf32>
    %get3A_241 = arith.constant 2560 : index
    %get3A_242 = arith.constant 0 : index
    %get3A_243 = vector.load %arg2[%get3A_241, %get3A_242] : memref<8192x256xf32, #tpu.memory_space<vmem>>, vector<512x256xf32>
    %dot_general3A_244 = arith.constant dense<0.000000e+00> : vector<256x512xf32>
    %dot_general3A_245 = tpu.matmul %get3A_1, %get3A_243, %dot_general3A_244 {dimension_numbers = #tpu.dot_dimension_numbers<[1], [1], [0], [0], [0, 0, 1, 0], [], []>, transpose_lhs_hint = false} : vector<256x256xf32>, vector<512x256xf32>, vector<256x512xf32> -> vector<256x512xf32>
    %get3A_246 = arith.constant 0 : index
    %get3A_247 = arith.constant 2560 : index
    %get3A_248 = vector.load %arg4[%get3A_246, %get3A_247] : memref<1x8192xf32, #tpu.memory_space<vmem>>, vector<1x512xf32>
    %add3A_249 = vector.broadcast %get3A_4 : vector<256x1xf32> to vector<256x512xf32>
    %add3A_250 = vector.broadcast %get3A_248 : vector<1x512xf32> to vector<256x512xf32>
    %add3A_251 = arith.addf %add3A_249, %add3A_250 : vector<256x512xf32>
    %mul3A_252 = arith.constant 2.000000e+00 : f32
    %mul3A_253 = vector.broadcast %mul3A_252 : f32 to vector<256x512xf32>
    %mul3A_254 = arith.mulf %mul3A_253, %dot_general3A_245 : vector<256x512xf32>
    %sub3A_255 = arith.subf %add3A_251, %mul3A_254 : vector<256x512xf32>
    %max3A_256 = arith.constant 0.000000e+00 : f32
    %max3A_257 = vector.broadcast %max3A_256 : f32 to vector<256x512xf32>
    %max3A_258 = arith.maximumf %sub3A_255, %max3A_257 : vector<256x512xf32>
    %sqrt3A_259 = math.sqrt %max3A_258 : vector<256x512xf32>
    %ge3A = arith.constant 0.000000e+00 : f32
    %ge3A_260 = vector.broadcast %ge3A : f32 to vector<256x512xf32>
    %ge3A_261 = arith.cmpf oge, %convert_element_type3A, %ge3A_260 : vector<256x512xf32>
    %lt3A_262 = arith.constant 1.760000e+02 : f32
    %lt3A_263 = vector.broadcast %lt3A_262 : f32 to vector<256x512xf32>
    %lt3A_264 = arith.cmpf olt, %convert_element_type3A, %lt3A_263 : vector<256x512xf32>
    %and3A = arith.andi %ge3A_261, %lt3A_264 : vector<256x512xi1>
    %jit3A_265 = arith.constant 0x7F800000 : f32
    %broadcast_in_dim3A_266 = vector.broadcast %jit3A_265 : f32 to vector<256x512xf32>
    %select_n3A_267 = arith.select %and3A, %sqrt3A_259, %broadcast_in_dim3A_266 : vector<256x512xi1>, vector<256x512xf32>
    %slice3A_268 = vector.extract_strided_slice %select_n3A_267 {offsets = [0, 0], sizes = [256, 256], strides = [1, 1]} : vector<256x512xf32> to vector<256x256xf32>
    %slice3A_269 = vector.extract_strided_slice %select_n3A_267 {offsets = [0, 256], sizes = [256, 256], strides = [1, 1]} : vector<256x512xf32> to vector<256x256xf32>
    %min3A_270 = arith.minimumf %slice3A_268, %slice3A_269 : vector<256x256xf32>
    %slice3A_271 = vector.extract_strided_slice %min3A_270 {offsets = [0, 0], sizes = [256, 128], strides = [1, 1]} : vector<256x256xf32> to vector<256x128xf32>
    %slice3A_272 = vector.extract_strided_slice %min3A_270 {offsets = [0, 128], sizes = [256, 128], strides = [1, 1]} : vector<256x256xf32> to vector<256x128xf32>
    %min3A_273 = arith.minimumf %slice3A_271, %slice3A_272 : vector<256x128xf32>
    %reduce_min3A_274 = arith.constant dense<0x7F800000> : vector<256xf32>
    %reduce_min3A_275 = vector.multi_reduction <minimumf>, %min3A_273, %reduce_min3A_274 [1] : vector<256x128xf32> to vector<256xf32>
    %broadcast_in_dim3A_276 = vector.shape_cast %reduce_min3A_275 : vector<256xf32> to vector<256x1xf32>
    %eq3A_277 = vector.broadcast %broadcast_in_dim3A_276 : vector<256x1xf32> to vector<256x512xf32>
    %eq3A_278 = arith.cmpf oeq, %select_n3A_267, %eq3A_277 : vector<256x512xf32>
    %jit3A_279 = arith.constant 8.192000e+03 : f32
    %broadcast_in_dim3A_280 = vector.broadcast %jit3A_279 : f32 to vector<256x512xf32>
    %select_n3A_281 = arith.select %eq3A_278, %convert_element_type3A, %broadcast_in_dim3A_280 : vector<256x512xi1>, vector<256x512xf32>
    %slice3A_282 = vector.extract_strided_slice %select_n3A_281 {offsets = [0, 0], sizes = [256, 256], strides = [1, 1]} : vector<256x512xf32> to vector<256x256xf32>
    %slice3A_283 = vector.extract_strided_slice %select_n3A_281 {offsets = [0, 256], sizes = [256, 256], strides = [1, 1]} : vector<256x512xf32> to vector<256x256xf32>
    %min3A_284 = arith.minimumf %slice3A_282, %slice3A_283 : vector<256x256xf32>
    %slice3A_285 = vector.extract_strided_slice %min3A_284 {offsets = [0, 0], sizes = [256, 128], strides = [1, 1]} : vector<256x256xf32> to vector<256x128xf32>
    %slice3A_286 = vector.extract_strided_slice %min3A_284 {offsets = [0, 128], sizes = [256, 128], strides = [1, 1]} : vector<256x256xf32> to vector<256x128xf32>
    %min3A_287 = arith.minimumf %slice3A_285, %slice3A_286 : vector<256x128xf32>
    %reduce_min3A_288 = arith.constant dense<0x7F800000> : vector<256xf32>
    %reduce_min3A_289 = vector.multi_reduction <minimumf>, %min3A_287, %reduce_min3A_288 [1] : vector<256x128xf32> to vector<256xf32>
    %broadcast_in_dim3A_290 = vector.shape_cast %reduce_min3A_289 : vector<256xf32> to vector<256x1xf32>
    %add3A_291 = arith.constant 2.560000e+03 : f32
    %add3A_292 = vector.broadcast %add3A_291 : f32 to vector<256x1xf32>
    %add3A_293 = arith.addf %broadcast_in_dim3A_290, %add3A_292 : vector<256x1xf32>
    %lt3A_294 = arith.cmpf olt, %broadcast_in_dim3A_276, %select_n3A_239 : vector<256x1xf32>
    %select_n3A_295 = arith.select %lt3A_294, %broadcast_in_dim3A_276, %select_n3A_239 : vector<256x1xi1>, vector<256x1xf32>
    %select_n3A_296 = arith.select %lt3A_294, %add3A_293, %select_n3A_240 : vector<256x1xi1>, vector<256x1xf32>
    %lt3A_297 = arith.cmpf olt, %select_n3A_295, %broadcast_in_dim3A_9 : vector<256x1xf32>
    %eq3A_298 = arith.cmpf oeq, %select_n3A_295, %broadcast_in_dim3A_9 : vector<256x1xf32>
    %lt3A_299 = arith.cmpf olt, %select_n3A_296, %broadcast_in_dim3A_13 : vector<256x1xf32>
    %and3A_300 = arith.andi %eq3A_298, %lt3A_299 : vector<256x1xi1>
    %or3A = arith.ori %lt3A_297, %and3A_300 : vector<256x1xi1>
    %convert_element_type3A_301 = arith.truncf %select_n3A_295 : vector<256x1xf32> to vector<256x1xbf16>
    %convert_element_type3A_302 = arith.extf %convert_element_type3A_301 : vector<256x1xbf16> to vector<256x1xf32>
    %select_n3A_303 = arith.select %or3A, %convert_element_type3A_302, %broadcast_in_dim3A_9 : vector<256x1xi1>, vector<256x1xf32>
    %select_n3A_304 = arith.select %or3A, %select_n3A_295, %broadcast_in_dim3A_11 : vector<256x1xi1>, vector<256x1xf32>
    %select_n3A_305 = arith.select %or3A, %select_n3A_296, %broadcast_in_dim3A_13 : vector<256x1xi1>, vector<256x1xf32>
    %broadcast_in_dim3A_306 = arith.constant 0x7F800000 : f32
    %broadcast_in_dim3A_307 = vector.broadcast %broadcast_in_dim3A_306 : f32 to vector<256x1xf32>
    %broadcast_in_dim3A_308 = arith.constant 0.000000e+00 : f32
    %broadcast_in_dim3A_309 = vector.broadcast %broadcast_in_dim3A_308 : f32 to vector<256x1xf32>
    %ge3A_310 = arith.constant 1.760000e+02 : f32
    %ge3A_311 = vector.broadcast %ge3A_310 : f32 to vector<256x512xf32>
    %ge3A_312 = arith.cmpf oge, %convert_element_type3A, %ge3A_311 : vector<256x512xf32>
    %lt3A_313 = arith.constant 5.120000e+02 : f32
    %lt3A_314 = vector.broadcast %lt3A_313 : f32 to vector<256x512xf32>
    %lt3A_315 = arith.cmpf olt, %convert_element_type3A, %lt3A_314 : vector<256x512xf32>
    %and3A_316 = arith.andi %ge3A_312, %lt3A_315 : vector<256x512xi1>
    %jit3A_317 = arith.constant 0x7F800000 : f32
    %broadcast_in_dim3A_318 = vector.broadcast %jit3A_317 : f32 to vector<256x512xf32>
    %select_n3A_319 = arith.select %and3A_316, %sqrt3A_259, %broadcast_in_dim3A_318 : vector<256x512xi1>, vector<256x512xf32>
    %slice3A_320 = vector.extract_strided_slice %select_n3A_319 {offsets = [0, 0], sizes = [256, 256], strides = [1, 1]} : vector<256x512xf32> to vector<256x256xf32>
    %slice3A_321 = vector.extract_strided_slice %select_n3A_319 {offsets = [0, 256], sizes = [256, 256], strides = [1, 1]} : vector<256x512xf32> to vector<256x256xf32>
    %min3A_322 = arith.minimumf %slice3A_320, %slice3A_321 : vector<256x256xf32>
    %slice3A_323 = vector.extract_strided_slice %min3A_322 {offsets = [0, 0], sizes = [256, 128], strides = [1, 1]} : vector<256x256xf32> to vector<256x128xf32>
    %slice3A_324 = vector.extract_strided_slice %min3A_322 {offsets = [0, 128], sizes = [256, 128], strides = [1, 1]} : vector<256x256xf32> to vector<256x128xf32>
    %min3A_325 = arith.minimumf %slice3A_323, %slice3A_324 : vector<256x128xf32>
    %reduce_min3A_326 = arith.constant dense<0x7F800000> : vector<256xf32>
    %reduce_min3A_327 = vector.multi_reduction <minimumf>, %min3A_325, %reduce_min3A_326 [1] : vector<256x128xf32> to vector<256xf32>
    %broadcast_in_dim3A_328 = vector.shape_cast %reduce_min3A_327 : vector<256xf32> to vector<256x1xf32>
    %eq3A_329 = vector.broadcast %broadcast_in_dim3A_328 : vector<256x1xf32> to vector<256x512xf32>
    %eq3A_330 = arith.cmpf oeq, %select_n3A_319, %eq3A_329 : vector<256x512xf32>
    %jit3A_331 = arith.constant 8.192000e+03 : f32
    %broadcast_in_dim3A_332 = vector.broadcast %jit3A_331 : f32 to vector<256x512xf32>
    %select_n3A_333 = arith.select %eq3A_330, %convert_element_type3A, %broadcast_in_dim3A_332 : vector<256x512xi1>, vector<256x512xf32>
    %slice3A_334 = vector.extract_strided_slice %select_n3A_333 {offsets = [0, 0], sizes = [256, 256], strides = [1, 1]} : vector<256x512xf32> to vector<256x256xf32>
    %slice3A_335 = vector.extract_strided_slice %select_n3A_333 {offsets = [0, 256], sizes = [256, 256], strides = [1, 1]} : vector<256x512xf32> to vector<256x256xf32>
    %min3A_336 = arith.minimumf %slice3A_334, %slice3A_335 : vector<256x256xf32>
    %slice3A_337 = vector.extract_strided_slice %min3A_336 {offsets = [0, 0], sizes = [256, 128], strides = [1, 1]} : vector<256x256xf32> to vector<256x128xf32>
    %slice3A_338 = vector.extract_strided_slice %min3A_336 {offsets = [0, 128], sizes = [256, 128], strides = [1, 1]} : vector<256x256xf32> to vector<256x128xf32>
    %min3A_339 = arith.minimumf %slice3A_337, %slice3A_338 : vector<256x128xf32>
    %reduce_min3A_340 = arith.constant dense<0x7F800000> : vector<256xf32>
    %reduce_min3A_341 = vector.multi_reduction <minimumf>, %min3A_339, %reduce_min3A_340 [1] : vector<256x128xf32> to vector<256xf32>
    %broadcast_in_dim3A_342 = vector.shape_cast %reduce_min3A_341 : vector<256xf32> to vector<256x1xf32>
    %add3A_343 = arith.constant 2.560000e+03 : f32
    %add3A_344 = vector.broadcast %add3A_343 : f32 to vector<256x1xf32>
    %add3A_345 = arith.addf %broadcast_in_dim3A_342, %add3A_344 : vector<256x1xf32>
    %lt3A_346 = arith.cmpf olt, %broadcast_in_dim3A_328, %broadcast_in_dim3A_307 : vector<256x1xf32>
    %select_n3A_347 = arith.select %lt3A_346, %broadcast_in_dim3A_328, %broadcast_in_dim3A_307 : vector<256x1xi1>, vector<256x1xf32>
    %select_n3A_348 = arith.select %lt3A_346, %add3A_345, %broadcast_in_dim3A_309 : vector<256x1xi1>, vector<256x1xf32>
    %get3A_349 = arith.constant 3072 : index
    %get3A_350 = arith.constant 0 : index
    %get3A_351 = vector.load %arg2[%get3A_349, %get3A_350] : memref<8192x256xf32, #tpu.memory_space<vmem>>, vector<512x256xf32>
    %dot_general3A_352 = arith.constant dense<0.000000e+00> : vector<256x512xf32>
    %dot_general3A_353 = tpu.matmul %get3A_1, %get3A_351, %dot_general3A_352 {dimension_numbers = #tpu.dot_dimension_numbers<[1], [1], [0], [0], [0, 0, 1, 0], [], []>, transpose_lhs_hint = false} : vector<256x256xf32>, vector<512x256xf32>, vector<256x512xf32> -> vector<256x512xf32>
    %get3A_354 = arith.constant 0 : index
    %get3A_355 = arith.constant 3072 : index
    %get3A_356 = vector.load %arg4[%get3A_354, %get3A_355] : memref<1x8192xf32, #tpu.memory_space<vmem>>, vector<1x512xf32>
    %add3A_357 = vector.broadcast %get3A_4 : vector<256x1xf32> to vector<256x512xf32>
    %add3A_358 = vector.broadcast %get3A_356 : vector<1x512xf32> to vector<256x512xf32>
    %add3A_359 = arith.addf %add3A_357, %add3A_358 : vector<256x512xf32>
    %mul3A_360 = arith.constant 2.000000e+00 : f32
    %mul3A_361 = vector.broadcast %mul3A_360 : f32 to vector<256x512xf32>
    %mul3A_362 = arith.mulf %mul3A_361, %dot_general3A_353 : vector<256x512xf32>
    %sub3A_363 = arith.subf %add3A_359, %mul3A_362 : vector<256x512xf32>
    %max3A_364 = arith.constant 0.000000e+00 : f32
    %max3A_365 = vector.broadcast %max3A_364 : f32 to vector<256x512xf32>
    %max3A_366 = arith.maximumf %sub3A_363, %max3A_365 : vector<256x512xf32>
    %sqrt3A_367 = math.sqrt %max3A_366 : vector<256x512xf32>
    %slice3A_368 = vector.extract_strided_slice %sqrt3A_367 {offsets = [0, 0], sizes = [256, 256], strides = [1, 1]} : vector<256x512xf32> to vector<256x256xf32>
    %slice3A_369 = vector.extract_strided_slice %sqrt3A_367 {offsets = [0, 256], sizes = [256, 256], strides = [1, 1]} : vector<256x512xf32> to vector<256x256xf32>
    %min3A_370 = arith.minimumf %slice3A_368, %slice3A_369 : vector<256x256xf32>
    %slice3A_371 = vector.extract_strided_slice %min3A_370 {offsets = [0, 0], sizes = [256, 128], strides = [1, 1]} : vector<256x256xf32> to vector<256x128xf32>
    %slice3A_372 = vector.extract_strided_slice %min3A_370 {offsets = [0, 128], sizes = [256, 128], strides = [1, 1]} : vector<256x256xf32> to vector<256x128xf32>
    %min3A_373 = arith.minimumf %slice3A_371, %slice3A_372 : vector<256x128xf32>
    %reduce_min3A_374 = arith.constant dense<0x7F800000> : vector<256xf32>
    %reduce_min3A_375 = vector.multi_reduction <minimumf>, %min3A_373, %reduce_min3A_374 [1] : vector<256x128xf32> to vector<256xf32>
    %broadcast_in_dim3A_376 = vector.shape_cast %reduce_min3A_375 : vector<256xf32> to vector<256x1xf32>
    %eq3A_377 = vector.broadcast %broadcast_in_dim3A_376 : vector<256x1xf32> to vector<256x512xf32>
    %eq3A_378 = arith.cmpf oeq, %sqrt3A_367, %eq3A_377 : vector<256x512xf32>
    %jit3A_379 = arith.constant 8.192000e+03 : f32
    %broadcast_in_dim3A_380 = vector.broadcast %jit3A_379 : f32 to vector<256x512xf32>
    %select_n3A_381 = arith.select %eq3A_378, %convert_element_type3A, %broadcast_in_dim3A_380 : vector<256x512xi1>, vector<256x512xf32>
    %slice3A_382 = vector.extract_strided_slice %select_n3A_381 {offsets = [0, 0], sizes = [256, 256], strides = [1, 1]} : vector<256x512xf32> to vector<256x256xf32>
    %slice3A_383 = vector.extract_strided_slice %select_n3A_381 {offsets = [0, 256], sizes = [256, 256], strides = [1, 1]} : vector<256x512xf32> to vector<256x256xf32>
    %min3A_384 = arith.minimumf %slice3A_382, %slice3A_383 : vector<256x256xf32>
    %slice3A_385 = vector.extract_strided_slice %min3A_384 {offsets = [0, 0], sizes = [256, 128], strides = [1, 1]} : vector<256x256xf32> to vector<256x128xf32>
    %slice3A_386 = vector.extract_strided_slice %min3A_384 {offsets = [0, 128], sizes = [256, 128], strides = [1, 1]} : vector<256x256xf32> to vector<256x128xf32>
    %min3A_387 = arith.minimumf %slice3A_385, %slice3A_386 : vector<256x128xf32>
    %reduce_min3A_388 = arith.constant dense<0x7F800000> : vector<256xf32>
    %reduce_min3A_389 = vector.multi_reduction <minimumf>, %min3A_387, %reduce_min3A_388 [1] : vector<256x128xf32> to vector<256xf32>
    %broadcast_in_dim3A_390 = vector.shape_cast %reduce_min3A_389 : vector<256xf32> to vector<256x1xf32>
    %add3A_391 = arith.constant 3.072000e+03 : f32
    %add3A_392 = vector.broadcast %add3A_391 : f32 to vector<256x1xf32>
    %add3A_393 = arith.addf %broadcast_in_dim3A_390, %add3A_392 : vector<256x1xf32>
    %lt3A_394 = arith.cmpf olt, %broadcast_in_dim3A_376, %select_n3A_347 : vector<256x1xf32>
    %select_n3A_395 = arith.select %lt3A_394, %broadcast_in_dim3A_376, %select_n3A_347 : vector<256x1xi1>, vector<256x1xf32>
    %select_n3A_396 = arith.select %lt3A_394, %add3A_393, %select_n3A_348 : vector<256x1xi1>, vector<256x1xf32>
    %get3A_397 = arith.constant 3584 : index
    %get3A_398 = arith.constant 0 : index
    %get3A_399 = vector.load %arg2[%get3A_397, %get3A_398] : memref<8192x256xf32, #tpu.memory_space<vmem>>, vector<512x256xf32>
    %dot_general3A_400 = arith.constant dense<0.000000e+00> : vector<256x512xf32>
    %dot_general3A_401 = tpu.matmul %get3A_1, %get3A_399, %dot_general3A_400 {dimension_numbers = #tpu.dot_dimension_numbers<[1], [1], [0], [0], [0, 0, 1, 0], [], []>, transpose_lhs_hint = false} : vector<256x256xf32>, vector<512x256xf32>, vector<256x512xf32> -> vector<256x512xf32>
    %get3A_402 = arith.constant 0 : index
    %get3A_403 = arith.constant 3584 : index
    %get3A_404 = vector.load %arg4[%get3A_402, %get3A_403] : memref<1x8192xf32, #tpu.memory_space<vmem>>, vector<1x512xf32>
    %add3A_405 = vector.broadcast %get3A_4 : vector<256x1xf32> to vector<256x512xf32>
    %add3A_406 = vector.broadcast %get3A_404 : vector<1x512xf32> to vector<256x512xf32>
    %add3A_407 = arith.addf %add3A_405, %add3A_406 : vector<256x512xf32>
    %mul3A_408 = arith.constant 2.000000e+00 : f32
    %mul3A_409 = vector.broadcast %mul3A_408 : f32 to vector<256x512xf32>
    %mul3A_410 = arith.mulf %mul3A_409, %dot_general3A_401 : vector<256x512xf32>
    %sub3A_411 = arith.subf %add3A_407, %mul3A_410 : vector<256x512xf32>
    %max3A_412 = arith.constant 0.000000e+00 : f32
    %max3A_413 = vector.broadcast %max3A_412 : f32 to vector<256x512xf32>
    %max3A_414 = arith.maximumf %sub3A_411, %max3A_413 : vector<256x512xf32>
    %sqrt3A_415 = math.sqrt %max3A_414 : vector<256x512xf32>
    %slice3A_416 = vector.extract_strided_slice %sqrt3A_415 {offsets = [0, 0], sizes = [256, 256], strides = [1, 1]} : vector<256x512xf32> to vector<256x256xf32>
    %slice3A_417 = vector.extract_strided_slice %sqrt3A_415 {offsets = [0, 256], sizes = [256, 256], strides = [1, 1]} : vector<256x512xf32> to vector<256x256xf32>
    %min3A_418 = arith.minimumf %slice3A_416, %slice3A_417 : vector<256x256xf32>
    %slice3A_419 = vector.extract_strided_slice %min3A_418 {offsets = [0, 0], sizes = [256, 128], strides = [1, 1]} : vector<256x256xf32> to vector<256x128xf32>
    %slice3A_420 = vector.extract_strided_slice %min3A_418 {offsets = [0, 128], sizes = [256, 128], strides = [1, 1]} : vector<256x256xf32> to vector<256x128xf32>
    %min3A_421 = arith.minimumf %slice3A_419, %slice3A_420 : vector<256x128xf32>
    %reduce_min3A_422 = arith.constant dense<0x7F800000> : vector<256xf32>
    %reduce_min3A_423 = vector.multi_reduction <minimumf>, %min3A_421, %reduce_min3A_422 [1] : vector<256x128xf32> to vector<256xf32>
    %broadcast_in_dim3A_424 = vector.shape_cast %reduce_min3A_423 : vector<256xf32> to vector<256x1xf32>
    %eq3A_425 = vector.broadcast %broadcast_in_dim3A_424 : vector<256x1xf32> to vector<256x512xf32>
    %eq3A_426 = arith.cmpf oeq, %sqrt3A_415, %eq3A_425 : vector<256x512xf32>
    %jit3A_427 = arith.constant 8.192000e+03 : f32
    %broadcast_in_dim3A_428 = vector.broadcast %jit3A_427 : f32 to vector<256x512xf32>
    %select_n3A_429 = arith.select %eq3A_426, %convert_element_type3A, %broadcast_in_dim3A_428 : vector<256x512xi1>, vector<256x512xf32>
    %slice3A_430 = vector.extract_strided_slice %select_n3A_429 {offsets = [0, 0], sizes = [256, 256], strides = [1, 1]} : vector<256x512xf32> to vector<256x256xf32>
    %slice3A_431 = vector.extract_strided_slice %select_n3A_429 {offsets = [0, 256], sizes = [256, 256], strides = [1, 1]} : vector<256x512xf32> to vector<256x256xf32>
    %min3A_432 = arith.minimumf %slice3A_430, %slice3A_431 : vector<256x256xf32>
    %slice3A_433 = vector.extract_strided_slice %min3A_432 {offsets = [0, 0], sizes = [256, 128], strides = [1, 1]} : vector<256x256xf32> to vector<256x128xf32>
    %slice3A_434 = vector.extract_strided_slice %min3A_432 {offsets = [0, 128], sizes = [256, 128], strides = [1, 1]} : vector<256x256xf32> to vector<256x128xf32>
    %min3A_435 = arith.minimumf %slice3A_433, %slice3A_434 : vector<256x128xf32>
    %reduce_min3A_436 = arith.constant dense<0x7F800000> : vector<256xf32>
    %reduce_min3A_437 = vector.multi_reduction <minimumf>, %min3A_435, %reduce_min3A_436 [1] : vector<256x128xf32> to vector<256xf32>
    %broadcast_in_dim3A_438 = vector.shape_cast %reduce_min3A_437 : vector<256xf32> to vector<256x1xf32>
    %add3A_439 = arith.constant 3.584000e+03 : f32
    %add3A_440 = vector.broadcast %add3A_439 : f32 to vector<256x1xf32>
    %add3A_441 = arith.addf %broadcast_in_dim3A_438, %add3A_440 : vector<256x1xf32>
    %lt3A_442 = arith.cmpf olt, %broadcast_in_dim3A_424, %select_n3A_395 : vector<256x1xf32>
    %select_n3A_443 = arith.select %lt3A_442, %broadcast_in_dim3A_424, %select_n3A_395 : vector<256x1xi1>, vector<256x1xf32>
    %select_n3A_444 = arith.select %lt3A_442, %add3A_441, %select_n3A_396 : vector<256x1xi1>, vector<256x1xf32>
    %get3A_445 = arith.constant 4096 : index
    %get3A_446 = arith.constant 0 : index
    %get3A_447 = vector.load %arg2[%get3A_445, %get3A_446] : memref<8192x256xf32, #tpu.memory_space<vmem>>, vector<512x256xf32>
    %dot_general3A_448 = arith.constant dense<0.000000e+00> : vector<256x512xf32>
    %dot_general3A_449 = tpu.matmul %get3A_1, %get3A_447, %dot_general3A_448 {dimension_numbers = #tpu.dot_dimension_numbers<[1], [1], [0], [0], [0, 0, 1, 0], [], []>, transpose_lhs_hint = false} : vector<256x256xf32>, vector<512x256xf32>, vector<256x512xf32> -> vector<256x512xf32>
    %get3A_450 = arith.constant 0 : index
    %get3A_451 = arith.constant 4096 : index
    %get3A_452 = vector.load %arg4[%get3A_450, %get3A_451] : memref<1x8192xf32, #tpu.memory_space<vmem>>, vector<1x512xf32>
    %add3A_453 = vector.broadcast %get3A_4 : vector<256x1xf32> to vector<256x512xf32>
    %add3A_454 = vector.broadcast %get3A_452 : vector<1x512xf32> to vector<256x512xf32>
    %add3A_455 = arith.addf %add3A_453, %add3A_454 : vector<256x512xf32>
    %mul3A_456 = arith.constant 2.000000e+00 : f32
    %mul3A_457 = vector.broadcast %mul3A_456 : f32 to vector<256x512xf32>
    %mul3A_458 = arith.mulf %mul3A_457, %dot_general3A_449 : vector<256x512xf32>
    %sub3A_459 = arith.subf %add3A_455, %mul3A_458 : vector<256x512xf32>
    %max3A_460 = arith.constant 0.000000e+00 : f32
    %max3A_461 = vector.broadcast %max3A_460 : f32 to vector<256x512xf32>
    %max3A_462 = arith.maximumf %sub3A_459, %max3A_461 : vector<256x512xf32>
    %sqrt3A_463 = math.sqrt %max3A_462 : vector<256x512xf32>
    %slice3A_464 = vector.extract_strided_slice %sqrt3A_463 {offsets = [0, 0], sizes = [256, 256], strides = [1, 1]} : vector<256x512xf32> to vector<256x256xf32>
    %slice3A_465 = vector.extract_strided_slice %sqrt3A_463 {offsets = [0, 256], sizes = [256, 256], strides = [1, 1]} : vector<256x512xf32> to vector<256x256xf32>
    %min3A_466 = arith.minimumf %slice3A_464, %slice3A_465 : vector<256x256xf32>
    %slice3A_467 = vector.extract_strided_slice %min3A_466 {offsets = [0, 0], sizes = [256, 128], strides = [1, 1]} : vector<256x256xf32> to vector<256x128xf32>
    %slice3A_468 = vector.extract_strided_slice %min3A_466 {offsets = [0, 128], sizes = [256, 128], strides = [1, 1]} : vector<256x256xf32> to vector<256x128xf32>
    %min3A_469 = arith.minimumf %slice3A_467, %slice3A_468 : vector<256x128xf32>
    %reduce_min3A_470 = arith.constant dense<0x7F800000> : vector<256xf32>
    %reduce_min3A_471 = vector.multi_reduction <minimumf>, %min3A_469, %reduce_min3A_470 [1] : vector<256x128xf32> to vector<256xf32>
    %broadcast_in_dim3A_472 = vector.shape_cast %reduce_min3A_471 : vector<256xf32> to vector<256x1xf32>
    %eq3A_473 = vector.broadcast %broadcast_in_dim3A_472 : vector<256x1xf32> to vector<256x512xf32>
    %eq3A_474 = arith.cmpf oeq, %sqrt3A_463, %eq3A_473 : vector<256x512xf32>
    %jit3A_475 = arith.constant 8.192000e+03 : f32
    %broadcast_in_dim3A_476 = vector.broadcast %jit3A_475 : f32 to vector<256x512xf32>
    %select_n3A_477 = arith.select %eq3A_474, %convert_element_type3A, %broadcast_in_dim3A_476 : vector<256x512xi1>, vector<256x512xf32>
    %slice3A_478 = vector.extract_strided_slice %select_n3A_477 {offsets = [0, 0], sizes = [256, 256], strides = [1, 1]} : vector<256x512xf32> to vector<256x256xf32>
    %slice3A_479 = vector.extract_strided_slice %select_n3A_477 {offsets = [0, 256], sizes = [256, 256], strides = [1, 1]} : vector<256x512xf32> to vector<256x256xf32>
    %min3A_480 = arith.minimumf %slice3A_478, %slice3A_479 : vector<256x256xf32>
    %slice3A_481 = vector.extract_strided_slice %min3A_480 {offsets = [0, 0], sizes = [256, 128], strides = [1, 1]} : vector<256x256xf32> to vector<256x128xf32>
    %slice3A_482 = vector.extract_strided_slice %min3A_480 {offsets = [0, 128], sizes = [256, 128], strides = [1, 1]} : vector<256x256xf32> to vector<256x128xf32>
    %min3A_483 = arith.minimumf %slice3A_481, %slice3A_482 : vector<256x128xf32>
    %reduce_min3A_484 = arith.constant dense<0x7F800000> : vector<256xf32>
    %reduce_min3A_485 = vector.multi_reduction <minimumf>, %min3A_483, %reduce_min3A_484 [1] : vector<256x128xf32> to vector<256xf32>
    %broadcast_in_dim3A_486 = vector.shape_cast %reduce_min3A_485 : vector<256xf32> to vector<256x1xf32>
    %add3A_487 = arith.constant 4.096000e+03 : f32
    %add3A_488 = vector.broadcast %add3A_487 : f32 to vector<256x1xf32>
    %add3A_489 = arith.addf %broadcast_in_dim3A_486, %add3A_488 : vector<256x1xf32>
    %lt3A_490 = arith.cmpf olt, %broadcast_in_dim3A_472, %select_n3A_443 : vector<256x1xf32>
    %select_n3A_491 = arith.select %lt3A_490, %broadcast_in_dim3A_472, %select_n3A_443 : vector<256x1xi1>, vector<256x1xf32>
    %select_n3A_492 = arith.select %lt3A_490, %add3A_489, %select_n3A_444 : vector<256x1xi1>, vector<256x1xf32>
    %get3A_493 = arith.constant 4608 : index
    %get3A_494 = arith.constant 0 : index
    %get3A_495 = vector.load %arg2[%get3A_493, %get3A_494] : memref<8192x256xf32, #tpu.memory_space<vmem>>, vector<512x256xf32>
    %dot_general3A_496 = arith.constant dense<0.000000e+00> : vector<256x512xf32>
    %dot_general3A_497 = tpu.matmul %get3A_1, %get3A_495, %dot_general3A_496 {dimension_numbers = #tpu.dot_dimension_numbers<[1], [1], [0], [0], [0, 0, 1, 0], [], []>, transpose_lhs_hint = false} : vector<256x256xf32>, vector<512x256xf32>, vector<256x512xf32> -> vector<256x512xf32>
    %get3A_498 = arith.constant 0 : index
    %get3A_499 = arith.constant 4608 : index
    %get3A_500 = vector.load %arg4[%get3A_498, %get3A_499] : memref<1x8192xf32, #tpu.memory_space<vmem>>, vector<1x512xf32>
    %add3A_501 = vector.broadcast %get3A_4 : vector<256x1xf32> to vector<256x512xf32>
    %add3A_502 = vector.broadcast %get3A_500 : vector<1x512xf32> to vector<256x512xf32>
    %add3A_503 = arith.addf %add3A_501, %add3A_502 : vector<256x512xf32>
    %mul3A_504 = arith.constant 2.000000e+00 : f32
    %mul3A_505 = vector.broadcast %mul3A_504 : f32 to vector<256x512xf32>
    %mul3A_506 = arith.mulf %mul3A_505, %dot_general3A_497 : vector<256x512xf32>
    %sub3A_507 = arith.subf %add3A_503, %mul3A_506 : vector<256x512xf32>
    %max3A_508 = arith.constant 0.000000e+00 : f32
    %max3A_509 = vector.broadcast %max3A_508 : f32 to vector<256x512xf32>
    %max3A_510 = arith.maximumf %sub3A_507, %max3A_509 : vector<256x512xf32>
    %sqrt3A_511 = math.sqrt %max3A_510 : vector<256x512xf32>
    %slice3A_512 = vector.extract_strided_slice %sqrt3A_511 {offsets = [0, 0], sizes = [256, 256], strides = [1, 1]} : vector<256x512xf32> to vector<256x256xf32>
    %slice3A_513 = vector.extract_strided_slice %sqrt3A_511 {offsets = [0, 256], sizes = [256, 256], strides = [1, 1]} : vector<256x512xf32> to vector<256x256xf32>
    %min3A_514 = arith.minimumf %slice3A_512, %slice3A_513 : vector<256x256xf32>
    %slice3A_515 = vector.extract_strided_slice %min3A_514 {offsets = [0, 0], sizes = [256, 128], strides = [1, 1]} : vector<256x256xf32> to vector<256x128xf32>
    %slice3A_516 = vector.extract_strided_slice %min3A_514 {offsets = [0, 128], sizes = [256, 128], strides = [1, 1]} : vector<256x256xf32> to vector<256x128xf32>
    %min3A_517 = arith.minimumf %slice3A_515, %slice3A_516 : vector<256x128xf32>
    %reduce_min3A_518 = arith.constant dense<0x7F800000> : vector<256xf32>
    %reduce_min3A_519 = vector.multi_reduction <minimumf>, %min3A_517, %reduce_min3A_518 [1] : vector<256x128xf32> to vector<256xf32>
    %broadcast_in_dim3A_520 = vector.shape_cast %reduce_min3A_519 : vector<256xf32> to vector<256x1xf32>
    %eq3A_521 = vector.broadcast %broadcast_in_dim3A_520 : vector<256x1xf32> to vector<256x512xf32>
    %eq3A_522 = arith.cmpf oeq, %sqrt3A_511, %eq3A_521 : vector<256x512xf32>
    %jit3A_523 = arith.constant 8.192000e+03 : f32
    %broadcast_in_dim3A_524 = vector.broadcast %jit3A_523 : f32 to vector<256x512xf32>
    %select_n3A_525 = arith.select %eq3A_522, %convert_element_type3A, %broadcast_in_dim3A_524 : vector<256x512xi1>, vector<256x512xf32>
    %slice3A_526 = vector.extract_strided_slice %select_n3A_525 {offsets = [0, 0], sizes = [256, 256], strides = [1, 1]} : vector<256x512xf32> to vector<256x256xf32>
    %slice3A_527 = vector.extract_strided_slice %select_n3A_525 {offsets = [0, 256], sizes = [256, 256], strides = [1, 1]} : vector<256x512xf32> to vector<256x256xf32>
    %min3A_528 = arith.minimumf %slice3A_526, %slice3A_527 : vector<256x256xf32>
    %slice3A_529 = vector.extract_strided_slice %min3A_528 {offsets = [0, 0], sizes = [256, 128], strides = [1, 1]} : vector<256x256xf32> to vector<256x128xf32>
    %slice3A_530 = vector.extract_strided_slice %min3A_528 {offsets = [0, 128], sizes = [256, 128], strides = [1, 1]} : vector<256x256xf32> to vector<256x128xf32>
    %min3A_531 = arith.minimumf %slice3A_529, %slice3A_530 : vector<256x128xf32>
    %reduce_min3A_532 = arith.constant dense<0x7F800000> : vector<256xf32>
    %reduce_min3A_533 = vector.multi_reduction <minimumf>, %min3A_531, %reduce_min3A_532 [1] : vector<256x128xf32> to vector<256xf32>
    %broadcast_in_dim3A_534 = vector.shape_cast %reduce_min3A_533 : vector<256xf32> to vector<256x1xf32>
    %add3A_535 = arith.constant 4.608000e+03 : f32
    %add3A_536 = vector.broadcast %add3A_535 : f32 to vector<256x1xf32>
    %add3A_537 = arith.addf %broadcast_in_dim3A_534, %add3A_536 : vector<256x1xf32>
    %lt3A_538 = arith.cmpf olt, %broadcast_in_dim3A_520, %select_n3A_491 : vector<256x1xf32>
    %select_n3A_539 = arith.select %lt3A_538, %broadcast_in_dim3A_520, %select_n3A_491 : vector<256x1xi1>, vector<256x1xf32>
    %select_n3A_540 = arith.select %lt3A_538, %add3A_537, %select_n3A_492 : vector<256x1xi1>, vector<256x1xf32>
    %get3A_541 = arith.constant 5120 : index
    %get3A_542 = arith.constant 0 : index
    %get3A_543 = vector.load %arg2[%get3A_541, %get3A_542] : memref<8192x256xf32, #tpu.memory_space<vmem>>, vector<512x256xf32>
    %dot_general3A_544 = arith.constant dense<0.000000e+00> : vector<256x512xf32>
    %dot_general3A_545 = tpu.matmul %get3A_1, %get3A_543, %dot_general3A_544 {dimension_numbers = #tpu.dot_dimension_numbers<[1], [1], [0], [0], [0, 0, 1, 0], [], []>, transpose_lhs_hint = false} : vector<256x256xf32>, vector<512x256xf32>, vector<256x512xf32> -> vector<256x512xf32>
    %get3A_546 = arith.constant 0 : index
    %get3A_547 = arith.constant 5120 : index
    %get3A_548 = vector.load %arg4[%get3A_546, %get3A_547] : memref<1x8192xf32, #tpu.memory_space<vmem>>, vector<1x512xf32>
    %add3A_549 = vector.broadcast %get3A_4 : vector<256x1xf32> to vector<256x512xf32>
    %add3A_550 = vector.broadcast %get3A_548 : vector<1x512xf32> to vector<256x512xf32>
    %add3A_551 = arith.addf %add3A_549, %add3A_550 : vector<256x512xf32>
    %mul3A_552 = arith.constant 2.000000e+00 : f32
    %mul3A_553 = vector.broadcast %mul3A_552 : f32 to vector<256x512xf32>
    %mul3A_554 = arith.mulf %mul3A_553, %dot_general3A_545 : vector<256x512xf32>
    %sub3A_555 = arith.subf %add3A_551, %mul3A_554 : vector<256x512xf32>
    %max3A_556 = arith.constant 0.000000e+00 : f32
    %max3A_557 = vector.broadcast %max3A_556 : f32 to vector<256x512xf32>
    %max3A_558 = arith.maximumf %sub3A_555, %max3A_557 : vector<256x512xf32>
    %sqrt3A_559 = math.sqrt %max3A_558 : vector<256x512xf32>
    %ge3A_560 = arith.constant 0.000000e+00 : f32
    %ge3A_561 = vector.broadcast %ge3A_560 : f32 to vector<256x512xf32>
    %ge3A_562 = arith.cmpf oge, %convert_element_type3A, %ge3A_561 : vector<256x512xf32>
    %lt3A_563 = arith.constant 3.520000e+02 : f32
    %lt3A_564 = vector.broadcast %lt3A_563 : f32 to vector<256x512xf32>
    %lt3A_565 = arith.cmpf olt, %convert_element_type3A, %lt3A_564 : vector<256x512xf32>
    %and3A_566 = arith.andi %ge3A_562, %lt3A_565 : vector<256x512xi1>
    %jit3A_567 = arith.constant 0x7F800000 : f32
    %broadcast_in_dim3A_568 = vector.broadcast %jit3A_567 : f32 to vector<256x512xf32>
    %select_n3A_569 = arith.select %and3A_566, %sqrt3A_559, %broadcast_in_dim3A_568 : vector<256x512xi1>, vector<256x512xf32>
    %slice3A_570 = vector.extract_strided_slice %select_n3A_569 {offsets = [0, 0], sizes = [256, 256], strides = [1, 1]} : vector<256x512xf32> to vector<256x256xf32>
    %slice3A_571 = vector.extract_strided_slice %select_n3A_569 {offsets = [0, 256], sizes = [256, 256], strides = [1, 1]} : vector<256x512xf32> to vector<256x256xf32>
    %min3A_572 = arith.minimumf %slice3A_570, %slice3A_571 : vector<256x256xf32>
    %slice3A_573 = vector.extract_strided_slice %min3A_572 {offsets = [0, 0], sizes = [256, 128], strides = [1, 1]} : vector<256x256xf32> to vector<256x128xf32>
    %slice3A_574 = vector.extract_strided_slice %min3A_572 {offsets = [0, 128], sizes = [256, 128], strides = [1, 1]} : vector<256x256xf32> to vector<256x128xf32>
    %min3A_575 = arith.minimumf %slice3A_573, %slice3A_574 : vector<256x128xf32>
    %reduce_min3A_576 = arith.constant dense<0x7F800000> : vector<256xf32>
    %reduce_min3A_577 = vector.multi_reduction <minimumf>, %min3A_575, %reduce_min3A_576 [1] : vector<256x128xf32> to vector<256xf32>
    %broadcast_in_dim3A_578 = vector.shape_cast %reduce_min3A_577 : vector<256xf32> to vector<256x1xf32>
    %eq3A_579 = vector.broadcast %broadcast_in_dim3A_578 : vector<256x1xf32> to vector<256x512xf32>
    %eq3A_580 = arith.cmpf oeq, %select_n3A_569, %eq3A_579 : vector<256x512xf32>
    %jit3A_581 = arith.constant 8.192000e+03 : f32
    %broadcast_in_dim3A_582 = vector.broadcast %jit3A_581 : f32 to vector<256x512xf32>
    %select_n3A_583 = arith.select %eq3A_580, %convert_element_type3A, %broadcast_in_dim3A_582 : vector<256x512xi1>, vector<256x512xf32>
    %slice3A_584 = vector.extract_strided_slice %select_n3A_583 {offsets = [0, 0], sizes = [256, 256], strides = [1, 1]} : vector<256x512xf32> to vector<256x256xf32>
    %slice3A_585 = vector.extract_strided_slice %select_n3A_583 {offsets = [0, 256], sizes = [256, 256], strides = [1, 1]} : vector<256x512xf32> to vector<256x256xf32>
    %min3A_586 = arith.minimumf %slice3A_584, %slice3A_585 : vector<256x256xf32>
    %slice3A_587 = vector.extract_strided_slice %min3A_586 {offsets = [0, 0], sizes = [256, 128], strides = [1, 1]} : vector<256x256xf32> to vector<256x128xf32>
    %slice3A_588 = vector.extract_strided_slice %min3A_586 {offsets = [0, 128], sizes = [256, 128], strides = [1, 1]} : vector<256x256xf32> to vector<256x128xf32>
    %min3A_589 = arith.minimumf %slice3A_587, %slice3A_588 : vector<256x128xf32>
    %reduce_min3A_590 = arith.constant dense<0x7F800000> : vector<256xf32>
    %reduce_min3A_591 = vector.multi_reduction <minimumf>, %min3A_589, %reduce_min3A_590 [1] : vector<256x128xf32> to vector<256xf32>
    %broadcast_in_dim3A_592 = vector.shape_cast %reduce_min3A_591 : vector<256xf32> to vector<256x1xf32>
    %add3A_593 = arith.constant 5.120000e+03 : f32
    %add3A_594 = vector.broadcast %add3A_593 : f32 to vector<256x1xf32>
    %add3A_595 = arith.addf %broadcast_in_dim3A_592, %add3A_594 : vector<256x1xf32>
    %lt3A_596 = arith.cmpf olt, %broadcast_in_dim3A_578, %select_n3A_539 : vector<256x1xf32>
    %select_n3A_597 = arith.select %lt3A_596, %broadcast_in_dim3A_578, %select_n3A_539 : vector<256x1xi1>, vector<256x1xf32>
    %select_n3A_598 = arith.select %lt3A_596, %add3A_595, %select_n3A_540 : vector<256x1xi1>, vector<256x1xf32>
    %lt3A_599 = arith.cmpf olt, %select_n3A_597, %select_n3A_303 : vector<256x1xf32>
    %eq3A_600 = arith.cmpf oeq, %select_n3A_597, %select_n3A_303 : vector<256x1xf32>
    %lt3A_601 = arith.cmpf olt, %select_n3A_598, %select_n3A_305 : vector<256x1xf32>
    %and3A_602 = arith.andi %eq3A_600, %lt3A_601 : vector<256x1xi1>
    %or3A_603 = arith.ori %lt3A_599, %and3A_602 : vector<256x1xi1>
    %convert_element_type3A_604 = arith.truncf %select_n3A_597 : vector<256x1xf32> to vector<256x1xbf16>
    %convert_element_type3A_605 = arith.extf %convert_element_type3A_604 : vector<256x1xbf16> to vector<256x1xf32>
    %select_n3A_606 = arith.select %or3A_603, %convert_element_type3A_605, %select_n3A_303 : vector<256x1xi1>, vector<256x1xf32>
    %select_n3A_607 = arith.select %or3A_603, %select_n3A_597, %select_n3A_304 : vector<256x1xi1>, vector<256x1xf32>
    %select_n3A_608 = arith.select %or3A_603, %select_n3A_598, %select_n3A_305 : vector<256x1xi1>, vector<256x1xf32>
    %broadcast_in_dim3A_609 = arith.constant 0x7F800000 : f32
    %broadcast_in_dim3A_610 = vector.broadcast %broadcast_in_dim3A_609 : f32 to vector<256x1xf32>
    %broadcast_in_dim3A_611 = arith.constant 0.000000e+00 : f32
    %broadcast_in_dim3A_612 = vector.broadcast %broadcast_in_dim3A_611 : f32 to vector<256x1xf32>
    %ge3A_613 = arith.constant 3.520000e+02 : f32
    %ge3A_614 = vector.broadcast %ge3A_613 : f32 to vector<256x512xf32>
    %ge3A_615 = arith.cmpf oge, %convert_element_type3A, %ge3A_614 : vector<256x512xf32>
    %lt3A_616 = arith.constant 5.120000e+02 : f32
    %lt3A_617 = vector.broadcast %lt3A_616 : f32 to vector<256x512xf32>
    %lt3A_618 = arith.cmpf olt, %convert_element_type3A, %lt3A_617 : vector<256x512xf32>
    %and3A_619 = arith.andi %ge3A_615, %lt3A_618 : vector<256x512xi1>
    %jit3A_620 = arith.constant 0x7F800000 : f32
    %broadcast_in_dim3A_621 = vector.broadcast %jit3A_620 : f32 to vector<256x512xf32>
    %select_n3A_622 = arith.select %and3A_619, %sqrt3A_559, %broadcast_in_dim3A_621 : vector<256x512xi1>, vector<256x512xf32>
    %slice3A_623 = vector.extract_strided_slice %select_n3A_622 {offsets = [0, 0], sizes = [256, 256], strides = [1, 1]} : vector<256x512xf32> to vector<256x256xf32>
    %slice3A_624 = vector.extract_strided_slice %select_n3A_622 {offsets = [0, 256], sizes = [256, 256], strides = [1, 1]} : vector<256x512xf32> to vector<256x256xf32>
    %min3A_625 = arith.minimumf %slice3A_623, %slice3A_624 : vector<256x256xf32>
    %slice3A_626 = vector.extract_strided_slice %min3A_625 {offsets = [0, 0], sizes = [256, 128], strides = [1, 1]} : vector<256x256xf32> to vector<256x128xf32>
    %slice3A_627 = vector.extract_strided_slice %min3A_625 {offsets = [0, 128], sizes = [256, 128], strides = [1, 1]} : vector<256x256xf32> to vector<256x128xf32>
    %min3A_628 = arith.minimumf %slice3A_626, %slice3A_627 : vector<256x128xf32>
    %reduce_min3A_629 = arith.constant dense<0x7F800000> : vector<256xf32>
    %reduce_min3A_630 = vector.multi_reduction <minimumf>, %min3A_628, %reduce_min3A_629 [1] : vector<256x128xf32> to vector<256xf32>
    %broadcast_in_dim3A_631 = vector.shape_cast %reduce_min3A_630 : vector<256xf32> to vector<256x1xf32>
    %eq3A_632 = vector.broadcast %broadcast_in_dim3A_631 : vector<256x1xf32> to vector<256x512xf32>
    %eq3A_633 = arith.cmpf oeq, %select_n3A_622, %eq3A_632 : vector<256x512xf32>
    %jit3A_634 = arith.constant 8.192000e+03 : f32
    %broadcast_in_dim3A_635 = vector.broadcast %jit3A_634 : f32 to vector<256x512xf32>
    %select_n3A_636 = arith.select %eq3A_633, %convert_element_type3A, %broadcast_in_dim3A_635 : vector<256x512xi1>, vector<256x512xf32>
    %slice3A_637 = vector.extract_strided_slice %select_n3A_636 {offsets = [0, 0], sizes = [256, 256], strides = [1, 1]} : vector<256x512xf32> to vector<256x256xf32>
    %slice3A_638 = vector.extract_strided_slice %select_n3A_636 {offsets = [0, 256], sizes = [256, 256], strides = [1, 1]} : vector<256x512xf32> to vector<256x256xf32>
    %min3A_639 = arith.minimumf %slice3A_637, %slice3A_638 : vector<256x256xf32>
    %slice3A_640 = vector.extract_strided_slice %min3A_639 {offsets = [0, 0], sizes = [256, 128], strides = [1, 1]} : vector<256x256xf32> to vector<256x128xf32>
    %slice3A_641 = vector.extract_strided_slice %min3A_639 {offsets = [0, 128], sizes = [256, 128], strides = [1, 1]} : vector<256x256xf32> to vector<256x128xf32>
    %min3A_642 = arith.minimumf %slice3A_640, %slice3A_641 : vector<256x128xf32>
    %reduce_min3A_643 = arith.constant dense<0x7F800000> : vector<256xf32>
    %reduce_min3A_644 = vector.multi_reduction <minimumf>, %min3A_642, %reduce_min3A_643 [1] : vector<256x128xf32> to vector<256xf32>
    %broadcast_in_dim3A_645 = vector.shape_cast %reduce_min3A_644 : vector<256xf32> to vector<256x1xf32>
    %add3A_646 = arith.constant 5.120000e+03 : f32
    %add3A_647 = vector.broadcast %add3A_646 : f32 to vector<256x1xf32>
    %add3A_648 = arith.addf %broadcast_in_dim3A_645, %add3A_647 : vector<256x1xf32>
    %lt3A_649 = arith.cmpf olt, %broadcast_in_dim3A_631, %broadcast_in_dim3A_610 : vector<256x1xf32>
    %select_n3A_650 = arith.select %lt3A_649, %broadcast_in_dim3A_631, %broadcast_in_dim3A_610 : vector<256x1xi1>, vector<256x1xf32>
    %select_n3A_651 = arith.select %lt3A_649, %add3A_648, %broadcast_in_dim3A_612 : vector<256x1xi1>, vector<256x1xf32>
    %get3A_652 = arith.constant 5632 : index
    %get3A_653 = arith.constant 0 : index
    %get3A_654 = vector.load %arg2[%get3A_652, %get3A_653] : memref<8192x256xf32, #tpu.memory_space<vmem>>, vector<512x256xf32>
    %dot_general3A_655 = arith.constant dense<0.000000e+00> : vector<256x512xf32>
    %dot_general3A_656 = tpu.matmul %get3A_1, %get3A_654, %dot_general3A_655 {dimension_numbers = #tpu.dot_dimension_numbers<[1], [1], [0], [0], [0, 0, 1, 0], [], []>, transpose_lhs_hint = false} : vector<256x256xf32>, vector<512x256xf32>, vector<256x512xf32> -> vector<256x512xf32>
    %get3A_657 = arith.constant 0 : index
    %get3A_658 = arith.constant 5632 : index
    %get3A_659 = vector.load %arg4[%get3A_657, %get3A_658] : memref<1x8192xf32, #tpu.memory_space<vmem>>, vector<1x512xf32>
    %add3A_660 = vector.broadcast %get3A_4 : vector<256x1xf32> to vector<256x512xf32>
    %add3A_661 = vector.broadcast %get3A_659 : vector<1x512xf32> to vector<256x512xf32>
    %add3A_662 = arith.addf %add3A_660, %add3A_661 : vector<256x512xf32>
    %mul3A_663 = arith.constant 2.000000e+00 : f32
    %mul3A_664 = vector.broadcast %mul3A_663 : f32 to vector<256x512xf32>
    %mul3A_665 = arith.mulf %mul3A_664, %dot_general3A_656 : vector<256x512xf32>
    %sub3A_666 = arith.subf %add3A_662, %mul3A_665 : vector<256x512xf32>
    %max3A_667 = arith.constant 0.000000e+00 : f32
    %max3A_668 = vector.broadcast %max3A_667 : f32 to vector<256x512xf32>
    %max3A_669 = arith.maximumf %sub3A_666, %max3A_668 : vector<256x512xf32>
    %sqrt3A_670 = math.sqrt %max3A_669 : vector<256x512xf32>
    %slice3A_671 = vector.extract_strided_slice %sqrt3A_670 {offsets = [0, 0], sizes = [256, 256], strides = [1, 1]} : vector<256x512xf32> to vector<256x256xf32>
    %slice3A_672 = vector.extract_strided_slice %sqrt3A_670 {offsets = [0, 256], sizes = [256, 256], strides = [1, 1]} : vector<256x512xf32> to vector<256x256xf32>
    %min3A_673 = arith.minimumf %slice3A_671, %slice3A_672 : vector<256x256xf32>
    %slice3A_674 = vector.extract_strided_slice %min3A_673 {offsets = [0, 0], sizes = [256, 128], strides = [1, 1]} : vector<256x256xf32> to vector<256x128xf32>
    %slice3A_675 = vector.extract_strided_slice %min3A_673 {offsets = [0, 128], sizes = [256, 128], strides = [1, 1]} : vector<256x256xf32> to vector<256x128xf32>
    %min3A_676 = arith.minimumf %slice3A_674, %slice3A_675 : vector<256x128xf32>
    %reduce_min3A_677 = arith.constant dense<0x7F800000> : vector<256xf32>
    %reduce_min3A_678 = vector.multi_reduction <minimumf>, %min3A_676, %reduce_min3A_677 [1] : vector<256x128xf32> to vector<256xf32>
    %broadcast_in_dim3A_679 = vector.shape_cast %reduce_min3A_678 : vector<256xf32> to vector<256x1xf32>
    %eq3A_680 = vector.broadcast %broadcast_in_dim3A_679 : vector<256x1xf32> to vector<256x512xf32>
    %eq3A_681 = arith.cmpf oeq, %sqrt3A_670, %eq3A_680 : vector<256x512xf32>
    %jit3A_682 = arith.constant 8.192000e+03 : f32
    %broadcast_in_dim3A_683 = vector.broadcast %jit3A_682 : f32 to vector<256x512xf32>
    %select_n3A_684 = arith.select %eq3A_681, %convert_element_type3A, %broadcast_in_dim3A_683 : vector<256x512xi1>, vector<256x512xf32>
    %slice3A_685 = vector.extract_strided_slice %select_n3A_684 {offsets = [0, 0], sizes = [256, 256], strides = [1, 1]} : vector<256x512xf32> to vector<256x256xf32>
    %slice3A_686 = vector.extract_strided_slice %select_n3A_684 {offsets = [0, 256], sizes = [256, 256], strides = [1, 1]} : vector<256x512xf32> to vector<256x256xf32>
    %min3A_687 = arith.minimumf %slice3A_685, %slice3A_686 : vector<256x256xf32>
    %slice3A_688 = vector.extract_strided_slice %min3A_687 {offsets = [0, 0], sizes = [256, 128], strides = [1, 1]} : vector<256x256xf32> to vector<256x128xf32>
    %slice3A_689 = vector.extract_strided_slice %min3A_687 {offsets = [0, 128], sizes = [256, 128], strides = [1, 1]} : vector<256x256xf32> to vector<256x128xf32>
    %min3A_690 = arith.minimumf %slice3A_688, %slice3A_689 : vector<256x128xf32>
    %reduce_min3A_691 = arith.constant dense<0x7F800000> : vector<256xf32>
    %reduce_min3A_692 = vector.multi_reduction <minimumf>, %min3A_690, %reduce_min3A_691 [1] : vector<256x128xf32> to vector<256xf32>
    %broadcast_in_dim3A_693 = vector.shape_cast %reduce_min3A_692 : vector<256xf32> to vector<256x1xf32>
    %add3A_694 = arith.constant 5.632000e+03 : f32
    %add3A_695 = vector.broadcast %add3A_694 : f32 to vector<256x1xf32>
    %add3A_696 = arith.addf %broadcast_in_dim3A_693, %add3A_695 : vector<256x1xf32>
    %lt3A_697 = arith.cmpf olt, %broadcast_in_dim3A_679, %select_n3A_650 : vector<256x1xf32>
    %select_n3A_698 = arith.select %lt3A_697, %broadcast_in_dim3A_679, %select_n3A_650 : vector<256x1xi1>, vector<256x1xf32>
    %select_n3A_699 = arith.select %lt3A_697, %add3A_696, %select_n3A_651 : vector<256x1xi1>, vector<256x1xf32>
    %get3A_700 = arith.constant 6144 : index
    %get3A_701 = arith.constant 0 : index
    %get3A_702 = vector.load %arg2[%get3A_700, %get3A_701] : memref<8192x256xf32, #tpu.memory_space<vmem>>, vector<512x256xf32>
    %dot_general3A_703 = arith.constant dense<0.000000e+00> : vector<256x512xf32>
    %dot_general3A_704 = tpu.matmul %get3A_1, %get3A_702, %dot_general3A_703 {dimension_numbers = #tpu.dot_dimension_numbers<[1], [1], [0], [0], [0, 0, 1, 0], [], []>, transpose_lhs_hint = false} : vector<256x256xf32>, vector<512x256xf32>, vector<256x512xf32> -> vector<256x512xf32>
    %get3A_705 = arith.constant 0 : index
    %get3A_706 = arith.constant 6144 : index
    %get3A_707 = vector.load %arg4[%get3A_705, %get3A_706] : memref<1x8192xf32, #tpu.memory_space<vmem>>, vector<1x512xf32>
    %add3A_708 = vector.broadcast %get3A_4 : vector<256x1xf32> to vector<256x512xf32>
    %add3A_709 = vector.broadcast %get3A_707 : vector<1x512xf32> to vector<256x512xf32>
    %add3A_710 = arith.addf %add3A_708, %add3A_709 : vector<256x512xf32>
    %mul3A_711 = arith.constant 2.000000e+00 : f32
    %mul3A_712 = vector.broadcast %mul3A_711 : f32 to vector<256x512xf32>
    %mul3A_713 = arith.mulf %mul3A_712, %dot_general3A_704 : vector<256x512xf32>
    %sub3A_714 = arith.subf %add3A_710, %mul3A_713 : vector<256x512xf32>
    %max3A_715 = arith.constant 0.000000e+00 : f32
    %max3A_716 = vector.broadcast %max3A_715 : f32 to vector<256x512xf32>
    %max3A_717 = arith.maximumf %sub3A_714, %max3A_716 : vector<256x512xf32>
    %sqrt3A_718 = math.sqrt %max3A_717 : vector<256x512xf32>
    %slice3A_719 = vector.extract_strided_slice %sqrt3A_718 {offsets = [0, 0], sizes = [256, 256], strides = [1, 1]} : vector<256x512xf32> to vector<256x256xf32>
    %slice3A_720 = vector.extract_strided_slice %sqrt3A_718 {offsets = [0, 256], sizes = [256, 256], strides = [1, 1]} : vector<256x512xf32> to vector<256x256xf32>
    %min3A_721 = arith.minimumf %slice3A_719, %slice3A_720 : vector<256x256xf32>
    %slice3A_722 = vector.extract_strided_slice %min3A_721 {offsets = [0, 0], sizes = [256, 128], strides = [1, 1]} : vector<256x256xf32> to vector<256x128xf32>
    %slice3A_723 = vector.extract_strided_slice %min3A_721 {offsets = [0, 128], sizes = [256, 128], strides = [1, 1]} : vector<256x256xf32> to vector<256x128xf32>
    %min3A_724 = arith.minimumf %slice3A_722, %slice3A_723 : vector<256x128xf32>
    %reduce_min3A_725 = arith.constant dense<0x7F800000> : vector<256xf32>
    %reduce_min3A_726 = vector.multi_reduction <minimumf>, %min3A_724, %reduce_min3A_725 [1] : vector<256x128xf32> to vector<256xf32>
    %broadcast_in_dim3A_727 = vector.shape_cast %reduce_min3A_726 : vector<256xf32> to vector<256x1xf32>
    %eq3A_728 = vector.broadcast %broadcast_in_dim3A_727 : vector<256x1xf32> to vector<256x512xf32>
    %eq3A_729 = arith.cmpf oeq, %sqrt3A_718, %eq3A_728 : vector<256x512xf32>
    %jit3A_730 = arith.constant 8.192000e+03 : f32
    %broadcast_in_dim3A_731 = vector.broadcast %jit3A_730 : f32 to vector<256x512xf32>
    %select_n3A_732 = arith.select %eq3A_729, %convert_element_type3A, %broadcast_in_dim3A_731 : vector<256x512xi1>, vector<256x512xf32>
    %slice3A_733 = vector.extract_strided_slice %select_n3A_732 {offsets = [0, 0], sizes = [256, 256], strides = [1, 1]} : vector<256x512xf32> to vector<256x256xf32>
    %slice3A_734 = vector.extract_strided_slice %select_n3A_732 {offsets = [0, 256], sizes = [256, 256], strides = [1, 1]} : vector<256x512xf32> to vector<256x256xf32>
    %min3A_735 = arith.minimumf %slice3A_733, %slice3A_734 : vector<256x256xf32>
    %slice3A_736 = vector.extract_strided_slice %min3A_735 {offsets = [0, 0], sizes = [256, 128], strides = [1, 1]} : vector<256x256xf32> to vector<256x128xf32>
    %slice3A_737 = vector.extract_strided_slice %min3A_735 {offsets = [0, 128], sizes = [256, 128], strides = [1, 1]} : vector<256x256xf32> to vector<256x128xf32>
    %min3A_738 = arith.minimumf %slice3A_736, %slice3A_737 : vector<256x128xf32>
    %reduce_min3A_739 = arith.constant dense<0x7F800000> : vector<256xf32>
    %reduce_min3A_740 = vector.multi_reduction <minimumf>, %min3A_738, %reduce_min3A_739 [1] : vector<256x128xf32> to vector<256xf32>
    %broadcast_in_dim3A_741 = vector.shape_cast %reduce_min3A_740 : vector<256xf32> to vector<256x1xf32>
    %add3A_742 = arith.constant 6.144000e+03 : f32
    %add3A_743 = vector.broadcast %add3A_742 : f32 to vector<256x1xf32>
    %add3A_744 = arith.addf %broadcast_in_dim3A_741, %add3A_743 : vector<256x1xf32>
    %lt3A_745 = arith.cmpf olt, %broadcast_in_dim3A_727, %select_n3A_698 : vector<256x1xf32>
    %select_n3A_746 = arith.select %lt3A_745, %broadcast_in_dim3A_727, %select_n3A_698 : vector<256x1xi1>, vector<256x1xf32>
    %select_n3A_747 = arith.select %lt3A_745, %add3A_744, %select_n3A_699 : vector<256x1xi1>, vector<256x1xf32>
    %get3A_748 = arith.constant 6656 : index
    %get3A_749 = arith.constant 0 : index
    %get3A_750 = vector.load %arg2[%get3A_748, %get3A_749] : memref<8192x256xf32, #tpu.memory_space<vmem>>, vector<512x256xf32>
    %dot_general3A_751 = arith.constant dense<0.000000e+00> : vector<256x512xf32>
    %dot_general3A_752 = tpu.matmul %get3A_1, %get3A_750, %dot_general3A_751 {dimension_numbers = #tpu.dot_dimension_numbers<[1], [1], [0], [0], [0, 0, 1, 0], [], []>, transpose_lhs_hint = false} : vector<256x256xf32>, vector<512x256xf32>, vector<256x512xf32> -> vector<256x512xf32>
    %get3A_753 = arith.constant 0 : index
    %get3A_754 = arith.constant 6656 : index
    %get3A_755 = vector.load %arg4[%get3A_753, %get3A_754] : memref<1x8192xf32, #tpu.memory_space<vmem>>, vector<1x512xf32>
    %add3A_756 = vector.broadcast %get3A_4 : vector<256x1xf32> to vector<256x512xf32>
    %add3A_757 = vector.broadcast %get3A_755 : vector<1x512xf32> to vector<256x512xf32>
    %add3A_758 = arith.addf %add3A_756, %add3A_757 : vector<256x512xf32>
    %mul3A_759 = arith.constant 2.000000e+00 : f32
    %mul3A_760 = vector.broadcast %mul3A_759 : f32 to vector<256x512xf32>
    %mul3A_761 = arith.mulf %mul3A_760, %dot_general3A_752 : vector<256x512xf32>
    %sub3A_762 = arith.subf %add3A_758, %mul3A_761 : vector<256x512xf32>
    %max3A_763 = arith.constant 0.000000e+00 : f32
    %max3A_764 = vector.broadcast %max3A_763 : f32 to vector<256x512xf32>
    %max3A_765 = arith.maximumf %sub3A_762, %max3A_764 : vector<256x512xf32>
    %sqrt3A_766 = math.sqrt %max3A_765 : vector<256x512xf32>
    %slice3A_767 = vector.extract_strided_slice %sqrt3A_766 {offsets = [0, 0], sizes = [256, 256], strides = [1, 1]} : vector<256x512xf32> to vector<256x256xf32>
    %slice3A_768 = vector.extract_strided_slice %sqrt3A_766 {offsets = [0, 256], sizes = [256, 256], strides = [1, 1]} : vector<256x512xf32> to vector<256x256xf32>
    %min3A_769 = arith.minimumf %slice3A_767, %slice3A_768 : vector<256x256xf32>
    %slice3A_770 = vector.extract_strided_slice %min3A_769 {offsets = [0, 0], sizes = [256, 128], strides = [1, 1]} : vector<256x256xf32> to vector<256x128xf32>
    %slice3A_771 = vector.extract_strided_slice %min3A_769 {offsets = [0, 128], sizes = [256, 128], strides = [1, 1]} : vector<256x256xf32> to vector<256x128xf32>
    %min3A_772 = arith.minimumf %slice3A_770, %slice3A_771 : vector<256x128xf32>
    %reduce_min3A_773 = arith.constant dense<0x7F800000> : vector<256xf32>
    %reduce_min3A_774 = vector.multi_reduction <minimumf>, %min3A_772, %reduce_min3A_773 [1] : vector<256x128xf32> to vector<256xf32>
    %broadcast_in_dim3A_775 = vector.shape_cast %reduce_min3A_774 : vector<256xf32> to vector<256x1xf32>
    %eq3A_776 = vector.broadcast %broadcast_in_dim3A_775 : vector<256x1xf32> to vector<256x512xf32>
    %eq3A_777 = arith.cmpf oeq, %sqrt3A_766, %eq3A_776 : vector<256x512xf32>
    %jit3A_778 = arith.constant 8.192000e+03 : f32
    %broadcast_in_dim3A_779 = vector.broadcast %jit3A_778 : f32 to vector<256x512xf32>
    %select_n3A_780 = arith.select %eq3A_777, %convert_element_type3A, %broadcast_in_dim3A_779 : vector<256x512xi1>, vector<256x512xf32>
    %slice3A_781 = vector.extract_strided_slice %select_n3A_780 {offsets = [0, 0], sizes = [256, 256], strides = [1, 1]} : vector<256x512xf32> to vector<256x256xf32>
    %slice3A_782 = vector.extract_strided_slice %select_n3A_780 {offsets = [0, 256], sizes = [256, 256], strides = [1, 1]} : vector<256x512xf32> to vector<256x256xf32>
    %min3A_783 = arith.minimumf %slice3A_781, %slice3A_782 : vector<256x256xf32>
    %slice3A_784 = vector.extract_strided_slice %min3A_783 {offsets = [0, 0], sizes = [256, 128], strides = [1, 1]} : vector<256x256xf32> to vector<256x128xf32>
    %slice3A_785 = vector.extract_strided_slice %min3A_783 {offsets = [0, 128], sizes = [256, 128], strides = [1, 1]} : vector<256x256xf32> to vector<256x128xf32>
    %min3A_786 = arith.minimumf %slice3A_784, %slice3A_785 : vector<256x128xf32>
    %reduce_min3A_787 = arith.constant dense<0x7F800000> : vector<256xf32>
    %reduce_min3A_788 = vector.multi_reduction <minimumf>, %min3A_786, %reduce_min3A_787 [1] : vector<256x128xf32> to vector<256xf32>
    %broadcast_in_dim3A_789 = vector.shape_cast %reduce_min3A_788 : vector<256xf32> to vector<256x1xf32>
    %add3A_790 = arith.constant 6.656000e+03 : f32
    %add3A_791 = vector.broadcast %add3A_790 : f32 to vector<256x1xf32>
    %add3A_792 = arith.addf %broadcast_in_dim3A_789, %add3A_791 : vector<256x1xf32>
    %lt3A_793 = arith.cmpf olt, %broadcast_in_dim3A_775, %select_n3A_746 : vector<256x1xf32>
    %select_n3A_794 = arith.select %lt3A_793, %broadcast_in_dim3A_775, %select_n3A_746 : vector<256x1xi1>, vector<256x1xf32>
    %select_n3A_795 = arith.select %lt3A_793, %add3A_792, %select_n3A_747 : vector<256x1xi1>, vector<256x1xf32>
    %get3A_796 = arith.constant 7168 : index
    %get3A_797 = arith.constant 0 : index
    %get3A_798 = vector.load %arg2[%get3A_796, %get3A_797] : memref<8192x256xf32, #tpu.memory_space<vmem>>, vector<512x256xf32>
    %dot_general3A_799 = arith.constant dense<0.000000e+00> : vector<256x512xf32>
    %dot_general3A_800 = tpu.matmul %get3A_1, %get3A_798, %dot_general3A_799 {dimension_numbers = #tpu.dot_dimension_numbers<[1], [1], [0], [0], [0, 0, 1, 0], [], []>, transpose_lhs_hint = false} : vector<256x256xf32>, vector<512x256xf32>, vector<256x512xf32> -> vector<256x512xf32>
    %get3A_801 = arith.constant 0 : index
    %get3A_802 = arith.constant 7168 : index
    %get3A_803 = vector.load %arg4[%get3A_801, %get3A_802] : memref<1x8192xf32, #tpu.memory_space<vmem>>, vector<1x512xf32>
    %add3A_804 = vector.broadcast %get3A_4 : vector<256x1xf32> to vector<256x512xf32>
    %add3A_805 = vector.broadcast %get3A_803 : vector<1x512xf32> to vector<256x512xf32>
    %add3A_806 = arith.addf %add3A_804, %add3A_805 : vector<256x512xf32>
    %mul3A_807 = arith.constant 2.000000e+00 : f32
    %mul3A_808 = vector.broadcast %mul3A_807 : f32 to vector<256x512xf32>
    %mul3A_809 = arith.mulf %mul3A_808, %dot_general3A_800 : vector<256x512xf32>
    %sub3A_810 = arith.subf %add3A_806, %mul3A_809 : vector<256x512xf32>
    %max3A_811 = arith.constant 0.000000e+00 : f32
    %max3A_812 = vector.broadcast %max3A_811 : f32 to vector<256x512xf32>
    %max3A_813 = arith.maximumf %sub3A_810, %max3A_812 : vector<256x512xf32>
    %sqrt3A_814 = math.sqrt %max3A_813 : vector<256x512xf32>
    %slice3A_815 = vector.extract_strided_slice %sqrt3A_814 {offsets = [0, 0], sizes = [256, 256], strides = [1, 1]} : vector<256x512xf32> to vector<256x256xf32>
    %slice3A_816 = vector.extract_strided_slice %sqrt3A_814 {offsets = [0, 256], sizes = [256, 256], strides = [1, 1]} : vector<256x512xf32> to vector<256x256xf32>
    %min3A_817 = arith.minimumf %slice3A_815, %slice3A_816 : vector<256x256xf32>
    %slice3A_818 = vector.extract_strided_slice %min3A_817 {offsets = [0, 0], sizes = [256, 128], strides = [1, 1]} : vector<256x256xf32> to vector<256x128xf32>
    %slice3A_819 = vector.extract_strided_slice %min3A_817 {offsets = [0, 128], sizes = [256, 128], strides = [1, 1]} : vector<256x256xf32> to vector<256x128xf32>
    %min3A_820 = arith.minimumf %slice3A_818, %slice3A_819 : vector<256x128xf32>
    %reduce_min3A_821 = arith.constant dense<0x7F800000> : vector<256xf32>
    %reduce_min3A_822 = vector.multi_reduction <minimumf>, %min3A_820, %reduce_min3A_821 [1] : vector<256x128xf32> to vector<256xf32>
    %broadcast_in_dim3A_823 = vector.shape_cast %reduce_min3A_822 : vector<256xf32> to vector<256x1xf32>
    %eq3A_824 = vector.broadcast %broadcast_in_dim3A_823 : vector<256x1xf32> to vector<256x512xf32>
    %eq3A_825 = arith.cmpf oeq, %sqrt3A_814, %eq3A_824 : vector<256x512xf32>
    %jit3A_826 = arith.constant 8.192000e+03 : f32
    %broadcast_in_dim3A_827 = vector.broadcast %jit3A_826 : f32 to vector<256x512xf32>
    %select_n3A_828 = arith.select %eq3A_825, %convert_element_type3A, %broadcast_in_dim3A_827 : vector<256x512xi1>, vector<256x512xf32>
    %slice3A_829 = vector.extract_strided_slice %select_n3A_828 {offsets = [0, 0], sizes = [256, 256], strides = [1, 1]} : vector<256x512xf32> to vector<256x256xf32>
    %slice3A_830 = vector.extract_strided_slice %select_n3A_828 {offsets = [0, 256], sizes = [256, 256], strides = [1, 1]} : vector<256x512xf32> to vector<256x256xf32>
    %min3A_831 = arith.minimumf %slice3A_829, %slice3A_830 : vector<256x256xf32>
    %slice3A_832 = vector.extract_strided_slice %min3A_831 {offsets = [0, 0], sizes = [256, 128], strides = [1, 1]} : vector<256x256xf32> to vector<256x128xf32>
    %slice3A_833 = vector.extract_strided_slice %min3A_831 {offsets = [0, 128], sizes = [256, 128], strides = [1, 1]} : vector<256x256xf32> to vector<256x128xf32>
    %min3A_834 = arith.minimumf %slice3A_832, %slice3A_833 : vector<256x128xf32>
    %reduce_min3A_835 = arith.constant dense<0x7F800000> : vector<256xf32>
    %reduce_min3A_836 = vector.multi_reduction <minimumf>, %min3A_834, %reduce_min3A_835 [1] : vector<256x128xf32> to vector<256xf32>
    %broadcast_in_dim3A_837 = vector.shape_cast %reduce_min3A_836 : vector<256xf32> to vector<256x1xf32>
    %add3A_838 = arith.constant 7.168000e+03 : f32
    %add3A_839 = vector.broadcast %add3A_838 : f32 to vector<256x1xf32>
    %add3A_840 = arith.addf %broadcast_in_dim3A_837, %add3A_839 : vector<256x1xf32>
    %lt3A_841 = arith.cmpf olt, %broadcast_in_dim3A_823, %select_n3A_794 : vector<256x1xf32>
    %select_n3A_842 = arith.select %lt3A_841, %broadcast_in_dim3A_823, %select_n3A_794 : vector<256x1xi1>, vector<256x1xf32>
    %select_n3A_843 = arith.select %lt3A_841, %add3A_840, %select_n3A_795 : vector<256x1xi1>, vector<256x1xf32>
    %get3A_844 = arith.constant 7680 : index
    %get3A_845 = arith.constant 0 : index
    %get3A_846 = vector.load %arg2[%get3A_844, %get3A_845] : memref<8192x256xf32, #tpu.memory_space<vmem>>, vector<512x256xf32>
    %dot_general3A_847 = arith.constant dense<0.000000e+00> : vector<256x512xf32>
    %dot_general3A_848 = tpu.matmul %get3A_1, %get3A_846, %dot_general3A_847 {dimension_numbers = #tpu.dot_dimension_numbers<[1], [1], [0], [0], [0, 0, 1, 0], [], []>, transpose_lhs_hint = false} : vector<256x256xf32>, vector<512x256xf32>, vector<256x512xf32> -> vector<256x512xf32>
    %get3A_849 = arith.constant 0 : index
    %get3A_850 = arith.constant 7680 : index
    %get3A_851 = vector.load %arg4[%get3A_849, %get3A_850] : memref<1x8192xf32, #tpu.memory_space<vmem>>, vector<1x512xf32>
    %add3A_852 = vector.broadcast %get3A_4 : vector<256x1xf32> to vector<256x512xf32>
    %add3A_853 = vector.broadcast %get3A_851 : vector<1x512xf32> to vector<256x512xf32>
    %add3A_854 = arith.addf %add3A_852, %add3A_853 : vector<256x512xf32>
    %mul3A_855 = arith.constant 2.000000e+00 : f32
    %mul3A_856 = vector.broadcast %mul3A_855 : f32 to vector<256x512xf32>
    %mul3A_857 = arith.mulf %mul3A_856, %dot_general3A_848 : vector<256x512xf32>
    %sub3A_858 = arith.subf %add3A_854, %mul3A_857 : vector<256x512xf32>
    %max3A_859 = arith.constant 0.000000e+00 : f32
    %max3A_860 = vector.broadcast %max3A_859 : f32 to vector<256x512xf32>
    %max3A_861 = arith.maximumf %sub3A_858, %max3A_860 : vector<256x512xf32>
    %sqrt3A_862 = math.sqrt %max3A_861 : vector<256x512xf32>
    %slice3A_863 = vector.extract_strided_slice %sqrt3A_862 {offsets = [0, 0], sizes = [256, 256], strides = [1, 1]} : vector<256x512xf32> to vector<256x256xf32>
    %slice3A_864 = vector.extract_strided_slice %sqrt3A_862 {offsets = [0, 256], sizes = [256, 256], strides = [1, 1]} : vector<256x512xf32> to vector<256x256xf32>
    %min3A_865 = arith.minimumf %slice3A_863, %slice3A_864 : vector<256x256xf32>
    %slice3A_866 = vector.extract_strided_slice %min3A_865 {offsets = [0, 0], sizes = [256, 128], strides = [1, 1]} : vector<256x256xf32> to vector<256x128xf32>
    %slice3A_867 = vector.extract_strided_slice %min3A_865 {offsets = [0, 128], sizes = [256, 128], strides = [1, 1]} : vector<256x256xf32> to vector<256x128xf32>
    %min3A_868 = arith.minimumf %slice3A_866, %slice3A_867 : vector<256x128xf32>
    %reduce_min3A_869 = arith.constant dense<0x7F800000> : vector<256xf32>
    %reduce_min3A_870 = vector.multi_reduction <minimumf>, %min3A_868, %reduce_min3A_869 [1] : vector<256x128xf32> to vector<256xf32>
    %broadcast_in_dim3A_871 = vector.shape_cast %reduce_min3A_870 : vector<256xf32> to vector<256x1xf32>
    %eq3A_872 = vector.broadcast %broadcast_in_dim3A_871 : vector<256x1xf32> to vector<256x512xf32>
    %eq3A_873 = arith.cmpf oeq, %sqrt3A_862, %eq3A_872 : vector<256x512xf32>
    %jit3A_874 = arith.constant 8.192000e+03 : f32
    %broadcast_in_dim3A_875 = vector.broadcast %jit3A_874 : f32 to vector<256x512xf32>
    %select_n3A_876 = arith.select %eq3A_873, %convert_element_type3A, %broadcast_in_dim3A_875 : vector<256x512xi1>, vector<256x512xf32>
    %slice3A_877 = vector.extract_strided_slice %select_n3A_876 {offsets = [0, 0], sizes = [256, 256], strides = [1, 1]} : vector<256x512xf32> to vector<256x256xf32>
    %slice3A_878 = vector.extract_strided_slice %select_n3A_876 {offsets = [0, 256], sizes = [256, 256], strides = [1, 1]} : vector<256x512xf32> to vector<256x256xf32>
    %min3A_879 = arith.minimumf %slice3A_877, %slice3A_878 : vector<256x256xf32>
    %slice3A_880 = vector.extract_strided_slice %min3A_879 {offsets = [0, 0], sizes = [256, 128], strides = [1, 1]} : vector<256x256xf32> to vector<256x128xf32>
    %slice3A_881 = vector.extract_strided_slice %min3A_879 {offsets = [0, 128], sizes = [256, 128], strides = [1, 1]} : vector<256x256xf32> to vector<256x128xf32>
    %min3A_882 = arith.minimumf %slice3A_880, %slice3A_881 : vector<256x128xf32>
    %reduce_min3A_883 = arith.constant dense<0x7F800000> : vector<256xf32>
    %reduce_min3A_884 = vector.multi_reduction <minimumf>, %min3A_882, %reduce_min3A_883 [1] : vector<256x128xf32> to vector<256xf32>
    %broadcast_in_dim3A_885 = vector.shape_cast %reduce_min3A_884 : vector<256xf32> to vector<256x1xf32>
    %add3A_886 = arith.constant 7.680000e+03 : f32
    %add3A_887 = vector.broadcast %add3A_886 : f32 to vector<256x1xf32>
    %add3A_888 = arith.addf %broadcast_in_dim3A_885, %add3A_887 : vector<256x1xf32>
    %lt3A_889 = arith.cmpf olt, %broadcast_in_dim3A_871, %select_n3A_842 : vector<256x1xf32>
    %select_n3A_890 = arith.select %lt3A_889, %broadcast_in_dim3A_871, %select_n3A_842 : vector<256x1xi1>, vector<256x1xf32>
    %select_n3A_891 = arith.select %lt3A_889, %add3A_888, %select_n3A_843 : vector<256x1xi1>, vector<256x1xf32>
    %lt3A_892 = arith.cmpf olt, %select_n3A_890, %select_n3A_606 : vector<256x1xf32>
    %eq3A_893 = arith.cmpf oeq, %select_n3A_890, %select_n3A_606 : vector<256x1xf32>
    %lt3A_894 = arith.cmpf olt, %select_n3A_891, %select_n3A_608 : vector<256x1xf32>
    %and3A_895 = arith.andi %eq3A_893, %lt3A_894 : vector<256x1xi1>
    %or3A_896 = arith.ori %lt3A_892, %and3A_895 : vector<256x1xi1>
    %select_n3A_897 = arith.select %or3A_896, %select_n3A_890, %select_n3A_607 : vector<256x1xi1>, vector<256x1xf32>
    %select_n3A_898 = arith.select %or3A_896, %select_n3A_891, %select_n3A_608 : vector<256x1xi1>, vector<256x1xf32>
    %convert_element_type3A_899 = arith.fptosi %select_n3A_898 : vector<256x1xf32> to vector<256x1xi32>
    %reshape3A = vector.shape_cast %convert_element_type3A_899 : vector<256x1xi32> to vector<1x1x256xi32>
    %swap3A = arith.constant 0 : index
    %swap3A_900 = arith.constant 0 : index
    %swap3A_901 = arith.constant 0 : index
    %swap3A_902 = vector.load %arg5[%swap3A, %swap3A_900, %swap3A_901] : memref<1x1x256xi32, #tpu.memory_space<vmem>>, vector<1x1x256xi32>
    tpu.vector_store %arg5[%swap3A, %swap3A_900, %swap3A_901], %reshape3A {strides = array<i32>} : memref<1x1x256xi32, #tpu.memory_space<vmem>>, vector<1x1x256xi32>,
    %mul3A_903 = arith.mulf %select_n3A_897, %select_n3A_897 : vector<256x1xf32>
    %reduce_sum3A = vector.shape_cast %mul3A_903 : vector<256x1xf32> to vector<1x256x1xf32>
    %reduce_sum3A_904 = arith.constant dense<0.000000e+00> : vector<1xf32>
    %reduce_sum3A_905 = vector.multi_reduction <add>, %reduce_sum3A, %reduce_sum3A_904 [1, 2] : vector<1x256x1xf32> to vector<1xf32>
    %reduce_sum3A_906 = vector.shape_cast %reduce_sum3A_905 : vector<1xf32> to vector<1x1x1xf32>
    %reduce_sum3A_907 = vector.extract %reduce_sum3A_906[0, 0, 0] : f32 from vector<1x1x1xf32>
    %div3A = arith.constant 0x4A800000 : f32
    %div3A_908 = arith.divf %reduce_sum3A_907, %div3A : f32
    %eq3A_909 = arith.constant 0 : i32
    %eq3A_910 = arith.cmpi eq, %arg0, %eq3A_909 : i32
    %convert_element_type3A_911 = arith.extui %eq3A_910 : i1 to i32
    %cond3A = arith.constant 0 : i32
    %cond3A_912 = arith.cmpi ne, %convert_element_type3A_911, %cond3A : i32
    scf.if %cond3A_912 {
      %broadcast_in_dim3A_941 = arith.constant 0.000000e+00 : f32
      %broadcast_in_dim3A_942 = vector.broadcast %broadcast_in_dim3A_941 : f32 to vector<1x1xf32>
      %swap3A_943 = arith.constant 0 : index
      %swap3A_944 = arith.constant 0 : index
      %swap3A_945 = vector.load %arg6[%swap3A_943, %swap3A_944] : memref<1x1xf32, #tpu.memory_space<vmem>>, vector<1x1xf32>
      tpu.vector_store %arg6[%swap3A_943, %swap3A_944], %broadcast_in_dim3A_942 {strides = array<i32>} : memref<1x1xf32, #tpu.memory_space<vmem>>, vector<1x1xf32>,
      %broadcast_in_dim3A_946 = arith.constant 0.000000e+00 : f32
      %broadcast_in_dim3A_947 = vector.broadcast %broadcast_in_dim3A_946 : f32 to vector<1x1xf32>
      %swap3A_948 = arith.constant 0 : index
      %swap3A_949 = arith.constant 0 : index
      %swap3A_950 = vector.load %arg7[%swap3A_948, %swap3A_949] : memref<1x1xf32, #tpu.memory_space<vmem>>, vector<1x1xf32>
      tpu.vector_store %arg7[%swap3A_948, %swap3A_949], %broadcast_in_dim3A_947 {strides = array<i32>} : memref<1x1xf32, #tpu.memory_space<vmem>>, vector<1x1xf32>,
      %broadcast_in_dim3A_951 = arith.constant 0.000000e+00 : f32
      %broadcast_in_dim3A_952 = vector.broadcast %broadcast_in_dim3A_951 : f32 to vector<1x1xf32>
      %swap3A_953 = arith.constant 0 : index
      %swap3A_954 = arith.constant 0 : index
      %swap3A_955 = vector.load %arg8[%swap3A_953, %swap3A_954] : memref<1x1xf32, #tpu.memory_space<vmem>>, vector<1x1xf32>
      tpu.vector_store %arg8[%swap3A_953, %swap3A_954], %broadcast_in_dim3A_952 {strides = array<i32>} : memref<1x1xf32, #tpu.memory_space<vmem>>, vector<1x1xf32>,
    } else {
    }
    %get3A_913 = arith.constant 0 : index
    %get3A_914 = arith.constant 0 : index
    %get3A_915 = vector.load %arg6[%get3A_913, %get3A_914] : memref<1x1xf32, #tpu.memory_space<vmem>>, vector<1x1xf32>
    %mul3A_916 = arith.constant 2.500000e-01 : f32
    %mul3A_917 = arith.mulf %mul3A_916, %div3A_908 : f32
    %add3A_918 = vector.broadcast %mul3A_917 : f32 to vector<1x1xf32>
    %add3A_919 = arith.addf %get3A_915, %add3A_918 : vector<1x1xf32>
    %swap3A_920 = arith.constant 0 : index
    %swap3A_921 = arith.constant 0 : index
    %swap3A_922 = vector.load %arg6[%swap3A_920, %swap3A_921] : memref<1x1xf32, #tpu.memory_space<vmem>>, vector<1x1xf32>
    tpu.vector_store %arg6[%swap3A_920, %swap3A_921], %add3A_919 {strides = array<i32>} : memref<1x1xf32, #tpu.memory_space<vmem>>, vector<1x1xf32>,
    %get3A_923 = arith.constant 0 : index
    %get3A_924 = arith.constant 0 : index
    %get3A_925 = vector.load %arg7[%get3A_923, %get3A_924] : memref<1x1xf32, #tpu.memory_space<vmem>>, vector<1x1xf32>
    %add3A_926 = vector.broadcast %div3A_908 : f32 to vector<1x1xf32>
    %add3A_927 = arith.addf %get3A_925, %add3A_926 : vector<1x1xf32>
    %swap3A_928 = arith.constant 0 : index
    %swap3A_929 = arith.constant 0 : index
    %swap3A_930 = vector.load %arg7[%swap3A_928, %swap3A_929] : memref<1x1xf32, #tpu.memory_space<vmem>>, vector<1x1xf32>
    tpu.vector_store %arg7[%swap3A_928, %swap3A_929], %add3A_927 {strides = array<i32>} : memref<1x1xf32, #tpu.memory_space<vmem>>, vector<1x1xf32>,
    %get3A_931 = arith.constant 0 : index
    %get3A_932 = arith.constant 0 : index
    %get3A_933 = vector.load %arg8[%get3A_931, %get3A_932] : memref<1x1xf32, #tpu.memory_space<vmem>>, vector<1x1xf32>
    %mul3A_934 = arith.constant 1.250000e+00 : f32
    %mul3A_935 = arith.mulf %mul3A_934, %div3A_908 : f32
    %add3A_936 = vector.broadcast %mul3A_935 : f32 to vector<1x1xf32>
    %add3A_937 = arith.addf %get3A_933, %add3A_936 : vector<1x1xf32>
    %swap3A_938 = arith.constant 0 : index
    %swap3A_939 = arith.constant 0 : index
    %swap3A_940 = vector.load %arg8[%swap3A_938, %swap3A_939] : memref<1x1xf32, #tpu.memory_space<vmem>>, vector<1x1xf32>
    tpu.vector_store %arg8[%swap3A_938, %swap3A_939], %add3A_937 {strides = array<i32>} : memref<1x1xf32, #tpu.memory_space<vmem>>, vector<1x1xf32>,
    return
  }
  func.func @transform_0(%arg0: i32) -> (i32, i32) {
    %c0_i32 = arith.constant 0 : i32
    %c0_i32_0 = arith.constant 0 : i32
    return %arg0, %c0_i32 : i32, i32
  }
  func.func @transform_1(%arg0: i32) -> (i32, i32) {
    %c0_i32 = arith.constant 0 : i32
    %c0_i32_0 = arith.constant 0 : i32
    %c0_i32_1 = arith.constant 0 : i32
    return %c0_i32, %c0_i32_0 : i32, i32
  }
  func.func @transform_2(%arg0: i32) -> (i32, i32) {
    %c0_i32 = arith.constant 0 : i32
    %c0_i32_0 = arith.constant 0 : i32
    return %arg0, %c0_i32 : i32, i32
  }
  func.func @transform_3(%arg0: i32) -> (i32, i32) {
    %c0_i32 = arith.constant 0 : i32
    %c0_i32_0 = arith.constant 0 : i32
    %c0_i32_1 = arith.constant 0 : i32
    return %c0_i32, %c0_i32_0 : i32, i32
  }
  func.func @transform_4(%arg0: i32) -> (i32, i32, i32) {
    %c0_i32 = arith.constant 0 : i32
    %c0_i32_0 = arith.constant 0 : i32
    %c0_i32_1 = arith.constant 0 : i32
    return %arg0, %c0_i32, %c0_i32_0 : i32, i32, i32
  }
  func.func @transform_5(%arg0: i32) -> (i32, i32) {
    %c0_i32 = arith.constant 0 : i32
    %c0_i32_0 = arith.constant 0 : i32
    %c0_i32_1 = arith.constant 0 : i32
    return %c0_i32, %c0_i32_0 : i32, i32
  }
  func.func @transform_6(%arg0: i32) -> (i32, i32) {
    %c0_i32 = arith.constant 0 : i32
    %c0_i32_0 = arith.constant 0 : i32
    %c0_i32_1 = arith.constant 0 : i32
    return %c0_i32, %c0_i32_0 : i32, i32
  }
  func.func @transform_7(%arg0: i32) -> (i32, i32) {
    %c0_i32 = arith.constant 0 : i32
    %c0_i32_0 = arith.constant 0 : i32
    %c0_i32_1 = arith.constant 0 : i32
    return %c0_i32, %c0_i32_0 : i32, i32
  }
}

</mosaic_0001>

<sc_bundles>
// kernel: kernel.4.cloned.1.call-start
scs
__scs_entry_jumppad:
0x0: {  	(pc) =	sbr.rel $0x88, $3  }
0x1: {  	(tag) =	ssettag $0x0;
	lr =	simm.s32 $0x1  }
0x2: {  	[smem:$0x3F9F] =	sst lr;
	_ =	strace $0xD0000000  }
0x3: {  	_ = 	snop  }
0x4: {  	_ = 	snop  }
0x5: {  	_ = 	snop  }
0x6: {  	_ = 	snop  }
0x7: {  	_ = 	snop  }
__scs_overlays_trampoline_lowered:
0x8: {  	[smem:$0x3FAE] =	sst s0  }
0x9: {  	[smem:$0x3FAF] =	sst s1  }
0xa: {  	[smem:$0x3FB0] =	sst s2  }
0xb: {  	[smem:$0x3FB1] =	sst s3  }
0xc: {  	[smem:$0x3FB2] =	sst s4  }
0xd: {  	[smem:$0x3FB3] =	sst s5  }
0xe: {  	[smem:$0x3FB4] =	sst s6  }
0xf: {  	[smem:$0x3FB5] =	sst s7  }
0x10: {  	[smem:$0x3FB6] =	sst s8  }
0x11: {  	[smem:$0x3FB7] =	sst s9;
	s0 =	simm.s32 @!p0 $0x0  }
0x12: {  	s1 =	sld [smem:$0x3F9D];
	s0 =	simm.s32 @p0 $0x1  }
0x13: {  	[smem:$0x3FB8] =	sst s0;
	s0 =	simm.s32 @!p1 $0x0  }
0x14: {  	s2 =	sld [smem:$0x3F9C];
	s0 =	simm.s32 @p1 $0x1  }
0x15: {  	[smem:$0x3FB9] =	sst s0;
	s0 =	simm.s32 @!p2 $0x0  }
0x16: {  	s3 =	sld [smem:$0x3FDB];
	s0 =	simm.s32 @p2 $0x1  }
0x17: {  	s4 =	simm.s32 $0x1BF5;
	[smem:$0x3FBB] =	sst s0  }
0x18: {  	s0 =	sld [smem:$0x3F9E];
	_ =	swait.ge [sflag:s4], $0x0  }
0x19: {  	s7 =	sld [smem:$0x3F9F]  }
0x1a: {  	s8 =	sadd.s32 $0xFFFFE003, lr  }
0x1b: {  	s9 =	sadd.s32 $0xFFFFFEF7, lr;
	s5 =	simm.s32 $0xFFFFFFFF;
	p2 =	slt.u32 s8, $0xFFFFF086  }
0x1c: {  	p1 =	slt.u32 s9, $0xF7A;
	s5 =	simm.s32 @!p2 $0x0  }
0x1d: {  	s5 =	simm.s32 @p1 $0x1;
	p0 =	seq.s32 s7, s2  }
0x1e: {  	s7 =	smul.u32 @!p0 $0xF7A, s2;
	p2 =	seq.s32 @!p0 s5, $0x0  }
0x1f: {  	s9 =	smul.u32 $0xF7A, s1;
	s8 =	simm.s32 @!p0 $0x1BF5;
	p2 =	por !p2, p0  }
0x20: {  	[sflag:s8] =	ssyncset.s32 @!p0 $0xFFFFF086;
	s6 =	sadd.s32 @!p0 s3, s7;
	s7 =	simm.s32 @!p0 $0x108  }
0x21: {  	s3 =	sadd.s32 s3, s9;
	s6 =	sadd.s32 @!p0 $0x88, s6;
	s7 =	simm.s32 @p2 $0x1082  }
0x22: {  	[simem:s7], [sflag:s8] =	dma.local @!p0 [hbm:s6], $0xF7A  }
0x23: {  	s9 =	sor.u32 $0xD0000000, s2;
	s6 =	simm.s32 $0x108;
	_ =	swait.ge @!p0 [sflag:s8], $0x0  }
0x24: {  	s3 =	sadd.s32 $0x88, s3;
	s6 =	simm.s32 @!p1 $0x1082;
	[sflag:s4] =	ssyncset.s32 $0xFFFFF086  }
0x25: {  	[simem:s6], [sflag:s4] =	dma.local [hbm:s3], $0xF7A  }
0x26: {  	[smem:$0x3F9F] =	sst s1;
	(tag) =	ssettag s2;
	_ =	strace s9  }
0x27: {  	s1 =	sld [smem:$0x3FAF]  }
0x28: {  	s2 =	sld [smem:$0x3FB0]  }
0x29: {  	s4 =	sld [smem:$0x3FB2]  }
0x2a: {  	p0 =	seq.s32 s5, $0x0;
	s5 =	sld [smem:$0x3FB3]  }
0x2b: {  	s6 =	sld [smem:$0x3FB4]  }
0x2c: {  	s7 =	sld [smem:$0x3FB5]  }
0x2d: {  	s3 =	simm.s32 $0x108;
	s8 =	sld [smem:$0x3FB6]  }
0x2e: {  	s3 =	simm.s32 @!p0 $0x1082;
	s9 =	sld [smem:$0x3FB7]  }
0x2f: {  	lr =	sadd.s32 s0, s3;
	s0 =	sld [smem:$0x3FAE]  }
0x30: {  	s3 =	sld [smem:$0x3FB1]  }
0x31: {  	[smem:$0x3FBA] =	sst s10  }
0x32: {  	s10 =	sld [smem:$0x3FB8];
	_ =	sdelay $0x3  }
0x33: {  	p0 =	seq.s32 s10, $0x1;
	s10 =	sld [smem:$0x3FBA];
	_ =	sdelay $0x3  }
0x34: {  	[smem:$0x3FBA] =	sst s10  }
0x35: {  	s10 =	sld [smem:$0x3FB9];
	_ =	sdelay $0x3  }
0x36: {  	p1 =	seq.s32 s10, $0x1;
	s10 =	sld [smem:$0x3FBA];
	_ =	sdelay $0x3  }
0x37: {  	[smem:$0x3FBA] =	sst s10  }
0x38: {  	s10 =	sld [smem:$0x3FBB]  }
0x39: {  	_ = 	snop;
	(pc) =	sbr.ind lr, $3  }
0x3a: {  	_ = 	snop  }
0x3b: {  	_ = 	snop  }
0x3c: {  	p2 =	seq.s32 s10, $0x1;
	s10 =	sld [smem:$0x3FBA]  }
0x3d: {  	_ =	shalt  }
0x3e: {  	_ =	shalt  }
0x3f: {  	_ =	shalt  }
0x40: {  	_ =	shalt  }
0x41: {  	_ =	shalt  }
0x42: {  	_ =	shalt  }
0x43: {  	_ =	shalt  }
0x44: {  	_ =	shalt  }
0x45: {  	_ =	shalt  }
0x46: {  	_ =	shalt  }
0x47: {  	_ =	shalt  }
0x48: {  	_ =	shalt  }
0x49: {  	_ =	shalt  }
0x4a: {  	_ =	shalt  }
0x4b: {  	_ =	shalt  }
0x4c: {  	_ =	shalt  }
0x4d: {  	_ =	shalt  }
0x4e: {  	_ =	shalt  }
0x4f: {  	_ =	shalt  }
0x50: {  	_ =	shalt  }
0x51: {  	_ =	shalt  }
0x52: {  	_ =	shalt  }
0x53: {  	_ =	shalt  }
0x54: {  	_ =	shalt  }
0x55: {  	_ =	shalt  }
0x56: {  	_ =	shalt  }
0x57: {  	_ =	shalt  }
0x58: {  	_ =	shalt  }
0x59: {  	_ =	shalt  }
0x5a: {  	_ =	shalt  }
0x5b: {  	_ =	shalt  }
0x5c: {  	_ =	shalt  }
0x5d: {  	_ =	shalt  }
0x5e: {  	_ =	shalt  }
0x5f: {  	_ =	shalt  }
0x60: {  	_ =	shalt  }
0x61: {  	_ =	shalt  }
0x62: {  	_ =	shalt  }
0x63: {  	_ =	shalt  }
0x64: {  	_ =	shalt  }
0x65: {  	_ =	shalt  }
0x66: {  	_ =	shalt  }
0x67: {  	_ =	shalt  }
0x68: {  	_ =	shalt  }
0x69: {  	_ =	shalt  }
0x6a: {  	_ =	shalt  }
0x6b: {  	_ =	shalt  }
0x6c: {  	_ =	shalt  }
0x6d: {  	_ =	shalt  }
0x6e: {  	_ =	shalt  }
0x6f: {  	_ =	shalt  }
0x70: {  	_ =	shalt  }
0x71: {  	_ =	shalt  }
0x72: {  	_ =	shalt  }
0x73: {  	_ =	shalt  }
0x74: {  	_ =	shalt  }
0x75: {  	_ =	shalt  }
0x76: {  	_ =	shalt  }
0x77: {  	_ =	shalt  }
0x78: {  	_ =	shalt  }
0x79: {  	_ =	shalt  }
0x7a: {  	_ =	shalt  }
0x7b: {  	_ =	shalt  }
0x7c: {  	_ =	shalt  }
0x7d: {  	_ =	shalt  }
0x7e: {  	_ =	shalt  }
0x7f: {  	_ =	shalt  }
0x80: {  	_ =	shalt  }
0x81: {  	_ =	shalt  }
0x82: {  	_ =	shalt  }
0x83: {  	_ =	shalt  }
0x84: {  	_ =	shalt  }
0x85: {  	_ =	shalt  }
0x86: {  	_ =	shalt  }
0x87: {  	_ =	shalt  }
.Lfunc_end0:
.L_simem_size_0:
called_computation_lowered:
.L_overlay_start_0:
0x88: {  	s2 =	sld [smem:$0x3FD9]  }
0x89: {  	s3 =	sld [smem:$0x3FFE];
	_ =	sdelay $0x1  }
0x8a: {  	s1 =	srdreg.scid  }
0x8b: {  	s0 =	sand.u32 $0x1, s1  }
0x8c: {  	s15 =	sshll.u32 s0, $0xA;
	s2 =	sadd.s32 s3, s2  }
0x8d: {  	s2 =	sadd.s32 s2, s15  }
0x8e: {  	[smem:$0x3FC6] =	sst s2  }
0x8f: {  	_ = 	snop  }
0x90: {  	s2 =	sld [smem:$0x3FD0];
	_ =	sdelay $0x2  }
0x91: {  	s4 =	simm.s32 $0xA;
	s5 =	simm.s32 $0x10;
	s16 =	sld [smem:$0x3FC8]  }
0x92: {  	[smem:s5], [sflag:s4] =	dma.local [hbm:s2], $0x1  }
0x93: {  	_ =	swait.eq [sflag:s4], $0x1  }
0x94: {  	[sflag:s4] =	ssyncset.done $0x0  }
0x95: {  	s17 =	sld [smem:$0x10];
	[sflag:s4] =	ssyncadd.s32 $0xFFFFFFFF  }
0x96: {  	s18 =	sld [smem:$0x11];
	(tm) =	ssettm $0x1  }
0x97: {  	s19 =	sld [smem:$0x3FFB];
	_ =	sdelay $0x3  }
0x98: {  	_ =	strace s19  }
0x99: {  	s5 =	sld [smem:$0x3FFC];
	_ =	sdelay $0x3  }
0x9a: {  	_ =	strace s5  }
0x9b: {  	s5 =	sld [smem:$0x3FFD];
	_ =	sdelay $0x3  }
0x9c: {  	_ =	strace s5  }
0x9d: {  	_ =	strace $0x8FFFFFFF  }
0x9e: {  	s20 =	sld [smem:$0x3FDB];
	_ =	sdelay $0x1  }
0x9f: {  	s6 =	simm.s32 $_scs_section_size  }
0xa0: {  	s7 =	simm.s32 $_size__tile_overlayer_lowered;
	s8 =	simm.s32 $_tile_overlayer_lowered  }
0xa1: {  	s23 =	simm.s32 $0x1BFF;
	s22 =	sshll.u32 s8, $0x1;
	s5 =	sadd.s32 s6, s20  }
0xa2: {  	s9 =	simm.s32 $0x0;
	s21 =	sshll.u32 s7, $0x1;
	s7 =	sadd.s32 s22, s5  }
0xa3: {  	[timem:s9], [sflag:s23] =	dma.local [hbm:s7], s21  }
0xa4: {  	_ =	swait.ge [sflag:s23], s21  }
0xa5: {  	s6 =	ssub.s32 $0x0, s21;
	[sflag:s23] =	ssyncset.done $0x0  }
0xa6: {  	[sflag:s23] =	ssyncadd.s32 s6;
	_ =	sdelay $0x1  }
0xa7: {  	s24 =	simm.s32 $0x1B8B  }
0xa8: {  	_ =	swait.ge [sflag:s24], $0x1  }
0xa9: {  	[sflag:s24] =	ssyncset.done $0x0  }
0xaa: {  	s25 =	simm.s32 $0x1B8E;
	[sflag:s24] =	ssyncadd.s32 $0xFFFFFFFF  }
0xab: {  	s26 =	simm.s32 $execute0_lowered;
	[smem:$0x3FD2] =	sst s25  }
0xac: {  	s6 =	sshll.u32 s26, $0x1;
	_ =	strace $0x80000046;
	[dreg:$0x1] =	wrdreg $0xFFFFFFFF  }
0xad: {  	s28 =	simm.s32 $_size_execute0_lowered;
	s5 =	sadd.s32 s5, s6;
	[dreg:$0x0] =	wrdreg $0x0  }
0xae: {  	s6 =	sshll.u32 s28, $0x1;
	[dreg:$0x2] =	wrdreg s5  }
0xaf: {  	[dreg:$0x3] =	wrdreg s6  }
0xb0: {  	[dreg:$0x4] =	wrdreg $0xC0  }
0xb1: {  	_ =	task [dreg:s9], $0x5FFFF  }
0xb2: {  	[dreg:$0x1] =	wrdreg $0xFFFFFFFF  }
0xb3: {  	[dreg:$0x0] =	wrdreg $0x60  }
0xb4: {  	[dreg:$0x2] =	wrdreg s16  }
0xb5: {  	[dreg:$0x3] =	wrdreg s18  }
0xb6: {  	[dreg:$0x4] =	wrdreg s17  }
0xb7: {  	[dreg:$0x5] =	wrdreg $0x9  }
0xb8: {  	_ =	task.clear_ibuf [dreg:s9], $0x6FFFF;
	_ =	strace $0x90000046  }
0xb9: {  	s29 =	simm.s32 $0x9;
	_ =	strace $0x8000004F  }
0xba: {  	_ =	swait.ge [sflag:s29], $0x1  }
0xbb: {  	[sflag:s29] =	ssyncadd.s32 $0xFFFFFFFF  }
0xbc: {  	_ =	strace $0x9000004F  }
0xbd: {  	_ =	sfence  }
0xbe: {  	s30 =	sld [smem:$0x0];
	_ =	sdelay $0x2  }
0xbf: {  	s31 =	sshll.u32 s1, $0xD;
	s1 =	sshrl.u32 s1, $0x2  }
0xc0: {  	s3 =	sand.u32 $0x4000, s31;
	s1 =	sadd.s32 s1, s30  }
0xc1: {  	s0 =	sor.u32 s3, s0;
	s1 =	sshll.u32 s1, $0x11  }
0xc2: {  	s0 =	sor.u32 s1, s0  }
0xc3: {  	s0 =	sadd.s32 $0x8F2B, s0  }
0xc4: {  	[sflag:s0] =	ssyncadd.remote.s32 $0x1  }
0xc5: {  	_ =	sfence.sel $0xFFFF  }
0xc6: {  	[dreg:$0x0] =	wrdreg $0xFFFFFFFF;
	(pc) =	sbr.abs _section_cstart, $3  }
0xc7: {  	[dreg:$0x1] =	wrdreg $0xFFFFFFFF  }
0xc8: {  	_ =	task.clear_ibuf [dreg:s9], $0x2FFFF;
	_ =	strace $0x9FFFFFFF  }
0xc9: {  	(tm) =	ssettm $0x7FFFFFFF  }
tec
execute0_lowered:
.L_overlay_start_1:
0x0: {  	(tag) =	ssettag $0x1  }
0x1: {  	s1 =	rddreg [dreg:$0x0]  }
0x2: {  	s2 =	rddreg [dreg:$0x1]  }
0x3: {  	s0 =	rddreg [dreg:$0x2];
	s3 =	srdreg.scid;
	s4 =	simm.s32 $0x0  }
0x4: {  	s8 =	simm.s32 $0x5;
	s9 =	simm.s32 $0x4;
	[dreg:$0x4] =	wrdreg s0  }
0x5: {  	s10 =	simm.s32 $0x0;
	s0 =	rddreg [dreg:$0x3];
	s5 =	sand.u32 $0x1, s3  }
0x6: {  	s3 =	stileid.u32;
	s6 =	ssub.s32 $0x2, s5;
	s5 =	sshll.u32 s5, $0x4  }
0x7: {  	v2 =	vlaneseq.u32;
	[smem:$0x7FF] =	sst s4;
	s7 =	sshrl.u32 s6, $0x1;
	s5 =	sor.u32 s3, s5  }
0x8: {  	vm0 =	vmmov $0xffff;
	v1 =	vshrl.u32 v2, $0x3;
	_ =	strace $0x80000047;
	s7 =	ssub.s32 s6, s7;
	s31 =	sshll.u32 s5, $0x6  }
0x9: {  	v0 =	vand.u32 $0x7, v2;
	v2 =	vor.u32 $0x8, v2;
	v1 =	vmul.u32 $0x8, v1;
	s5 =	sshll.u32 s5, $0x2;
	s6 =	sadd.s32 s2, s31;
	s7 =	smax.u32 s7, $0x1  }
.LBB2_1:
0xa: {  	_ =	strace $0x80000048;
	s11 =	simm.s32 $0x4  }
0xb: {  	s12 =	simm.s32 $0x0;
	s13 =	simm.s32 $0x0;
	s14 =	simm.s32 $0x0  }
0xc: {  	[tilespmem:s4], [sflag:$0x1] =	stream.linear.gather [hbm4b:s6+s4], $0x80, $0x200038;
	[tilespmem:$0x10100] =	vst v63  }
0xd: {  	s15 =	simm.s32 $0x0;
	s16 =	simm.s32 $0x1;
	_ =	strace $0x90000048  }
.LBB2_2:
0xe: {  	s17 =	smov.u32 s12;
	s12 =	sadd.s32 $0x1, s12  }
0xf: {  	p0 =	seq.s32 s12, $0x4  }
0x10: {  	s12 =	simm.s32 @p0 $0x0  }
0x11: {  	p6 =	sne.s32 s11, $0x1;
	p1 =	sne.s32 s17, s12  }
0x12: {  	p0 =	por !p6, !p1  }
0x13: {  	p0 =	por !p0, !p0  }
0x14: {  	s18 =	sadd.s32 @p0 s5, s12  }
0x15: {  	s19 =	sand.u32 @p0 $0x1, s16;
	s18 =	sshll.u32 @p0 s18, $0x4  }
0x16: {  	_ =	strace @p0 $0x80000049;
	s21 =	simm.s32 @p0 $0x0;
	s18 =	sand.u32 @p0 $0x1FFFFFF0, s18  }
0x17: {  	s20 =	sshll.u32 @p0 s19, $0x7;
	s19 =	sadd.s32 @p0 $0x1, s19;
	s18 =	sadd.s32 @p0 s2, s18  }
0x18: {  	[tilespmem:s20], [sflag:s19] =	stream.linear.gather @p0 [hbm4b:s18+s21], $0x80, $0x200038;
	[tilespmem:$0x10100] =	vst v63  }
0x19: {  	s24 =	sand.u32 $0x1, s15;
	_ =	strace @p0 $0x90000049  }
0x1a: {  	s18 =	sadd.s32 $0x1, s24;
	_ =	strace $0x8000004A  }
0x1b: {  	_ =	swait.ge [sflag:s18], $0x80  }
0x1c: {  	[sflag:s18] =	ssyncset.done $0x0  }
0x1d: {  	[sflag:s18] =	ssyncadd.s32 $0xFFFFFF80  }
0x1e: {  	s25 =	sshll.u32 s15, $0x7;
	_ =	strace $0x9000004A  }
0x1f: {  	s21 =	sand.u32 $0x80, s25;
	_ =	strace $0x8000004B  }
0x20: {  	v3 =	vld [tilespmem:s21+$0x0];
	_ =	sdelay $0x4  }
0x21: {  	v4 =	vshll.u32 v3, $0x1  }
0x22: {  	v3 =	vand.u32 $0x7, v3;
	v4 =	vand.u32 $0xFFFFFFF0, v4  }
0x23: {  	v3 =	vor.u32 v3, v4  }
0x24: {  	v4 =	vperm.xlane v3, v0;
	_ =	sdelay $0x1  }
0x25: {  	v3 =	vperm.xlane v3, v2;
	v4 =	vadd.s32 v1, v4;
	_ =	sdelay $0x1  }
0x26: {  	s18 =	sand.u32 $0x1, s14;
	v3 =	vadd.s32 v1, v3  }
0x27: {  	s20 =	sshll.u32 s18, $0xF  }
0x28: {  	s19 =	sor.u32 $0x100, s20  }
0x29: {  	[tilespmem:s19], [sflag:$0x5] =	stream.indirect_vreg.gather [hbm4b:s1+s4], $0x80, v4, vm0, $0x2000b8;
	[tilespmem:$0x10100] =	vst v63  }
0x2a: {  	s22 =	sor.u32 $0x900, s20  }
0x2b: {  	[tilespmem:s22], [sflag:$0x5] =	stream.indirect_vreg.gather [hbm4b:s1+s4], $0x80, v3, vm0, $0x2000b8;
	[tilespmem:$0x10100] =	vst v63  }
0x2c: {  	v3 =	vld [tilespmem:s21+$0x10];
	_ =	sdelay $0x4  }
0x2d: {  	v57 =	vshll.u32 v3, $0x1  }
0x2e: {  	v3 =	vand.u32 $0x7, v3;
	v4 =	vand.u32 $0xFFFFFFF0, v57  }
0x2f: {  	v3 =	vor.u32 v3, v4  }
0x30: {  	v4 =	vperm.xlane v3, v0;
	_ =	sdelay $0x1  }
0x31: {  	v3 =	vperm.xlane v3, v2;
	v4 =	vadd.s32 v1, v4;
	_ =	sdelay $0x1  }
0x32: {  	v3 =	vadd.s32 v1, v3;
	_ =	sdelay $0x1  }
0x33: {  	s26 =	sor.u32 $0x1100, s20  }
0x34: {  	[tilespmem:s26], [sflag:$0x5] =	stream.indirect_vreg.gather [hbm4b:s1+s4], $0x80, v4, vm0, $0x2000b8;
	[tilespmem:$0x10100] =	vst v63  }
0x35: {  	s28 =	sor.u32 $0x1900, s20  }
0x36: {  	[tilespmem:s28], [sflag:$0x5] =	stream.indirect_vreg.gather [hbm4b:s1+s4], $0x80, v3, vm0, $0x2000b8;
	[tilespmem:$0x10100] =	vst v63  }
0x37: {  	v3 =	vld [tilespmem:s21+$0x20];
	_ =	sdelay $0x4  }
0x38: {  	v58 =	vshll.u32 v3, $0x1  }
0x39: {  	v3 =	vand.u32 $0x7, v3;
	v4 =	vand.u32 $0xFFFFFFF0, v58  }
0x3a: {  	v3 =	vor.u32 v3, v4  }
0x3b: {  	v4 =	vperm.xlane v3, v0;
	_ =	sdelay $0x1  }
0x3c: {  	v3 =	vperm.xlane v3, v2;
	v4 =	vadd.s32 v1, v4;
	_ =	sdelay $0x1  }
0x3d: {  	v3 =	vadd.s32 v1, v3;
	_ =	sdelay $0x1  }
0x3e: {  	s29 =	sor.u32 $0x2100, s20  }
0x3f: {  	[tilespmem:s29], [sflag:$0x5] =	stream.indirect_vreg.gather [hbm4b:s1+s4], $0x80, v4, vm0, $0x2000b8;
	[tilespmem:$0x10100] =	vst v63  }
0x40: {  	s30 =	sor.u32 $0x2900, s20  }
0x41: {  	[tilespmem:s30], [sflag:$0x5] =	stream.indirect_vreg.gather [hbm4b:s1+s4], $0x80, v3, vm0, $0x2000b8;
	[tilespmem:$0x10100] =	vst v63  }
0x42: {  	v3 =	vld [tilespmem:s21+$0x30];
	_ =	sdelay $0x4  }
0x43: {  	v59 =	vshll.u32 v3, $0x1  }
0x44: {  	v3 =	vand.u32 $0x7, v3;
	v4 =	vand.u32 $0xFFFFFFF0, v59  }
0x45: {  	v3 =	vor.u32 v3, v4  }
0x46: {  	v4 =	vperm.xlane v3, v0;
	_ =	sdelay $0x1  }
0x47: {  	v3 =	vperm.xlane v3, v2;
	v4 =	vadd.s32 v1, v4;
	_ =	sdelay $0x1  }
0x48: {  	v3 =	vadd.s32 v1, v3;
	_ =	sdelay $0x1  }
0x49: {  	s31 =	sor.u32 $0x3100, s20  }
0x4a: {  	[tilespmem:s31], [sflag:$0x5] =	stream.indirect_vreg.gather [hbm4b:s1+s4], $0x80, v4, vm0, $0x2000b8;
	[tilespmem:$0x10100] =	vst v63  }
0x4b: {  	s23 =	sor.u32 $0x3900, s20  }
0x4c: {  	[tilespmem:s23], [sflag:$0x5] =	stream.indirect_vreg.gather [hbm4b:s1+s4], $0x80, v3, vm0, $0x2000b8;
	[tilespmem:$0x10100] =	vst v63  }
0x4d: {  	v3 =	vld [tilespmem:s21+$0x40];
	_ =	sdelay $0x4  }
0x4e: {  	v60 =	vshll.u32 v3, $0x1  }
0x4f: {  	v3 =	vand.u32 $0x7, v3;
	v4 =	vand.u32 $0xFFFFFFF0, v60  }
0x50: {  	v3 =	vor.u32 v3, v4  }
0x51: {  	v4 =	vperm.xlane v3, v0;
	_ =	sdelay $0x1  }
0x52: {  	v3 =	vperm.xlane v3, v2;
	v4 =	vadd.s32 v1, v4;
	_ =	sdelay $0x1  }
0x53: {  	v3 =	vadd.s32 v1, v3;
	_ =	sdelay $0x1  }
0x54: {  	s24 =	sor.u32 $0x4100, s20  }
0x55: {  	[tilespmem:s24], [sflag:$0x5] =	stream.indirect_vreg.gather [hbm4b:s1+s4], $0x80, v4, vm0, $0x2000b8;
	[tilespmem:$0x10100] =	vst v63  }
0x56: {  	s25 =	sor.u32 $0x4900, s20  }
0x57: {  	[tilespmem:s25], [sflag:$0x5] =	stream.indirect_vreg.gather [hbm4b:s1+s4], $0x80, v3, vm0, $0x2000b8;
	[tilespmem:$0x10100] =	vst v63  }
0x58: {  	v3 =	vld [tilespmem:s21+$0x50];
	_ =	sdelay $0x4  }
0x59: {  	v61 =	vshll.u32 v3, $0x1  }
0x5a: {  	v3 =	vand.u32 $0x7, v3;
	v4 =	vand.u32 $0xFFFFFFF0, v61  }
0x5b: {  	v3 =	vor.u32 v3, v4  }
0x5c: {  	v4 =	vperm.xlane v3, v0;
	_ =	sdelay $0x1  }
0x5d: {  	v3 =	vperm.xlane v3, v2;
	v4 =	vadd.s32 v1, v4;
	_ =	sdelay $0x1  }
0x5e: {  	v3 =	vadd.s32 v1, v3;
	_ =	sdelay $0x1  }
0x5f: {  	s26 =	sor.u32 $0x5100, s20  }
0x60: {  	[tilespmem:s26], [sflag:$0x5] =	stream.indirect_vreg.gather [hbm4b:s1+s4], $0x80, v4, vm0, $0x2000b8;
	[tilespmem:$0x10100] =	vst v63  }
0x61: {  	s28 =	sor.u32 $0x5900, s20  }
0x62: {  	[tilespmem:s28], [sflag:$0x5] =	stream.indirect_vreg.gather [hbm4b:s1+s4], $0x80, v3, vm0, $0x2000b8;
	[tilespmem:$0x10100] =	vst v63  }
0x63: {  	v3 =	vld [tilespmem:s21+$0x60];
	_ =	sdelay $0x4  }
0x64: {  	v62 =	vshll.u32 v3, $0x1  }
0x65: {  	v3 =	vand.u32 $0x7, v3;
	v4 =	vand.u32 $0xFFFFFFF0, v62  }
0x66: {  	v3 =	vor.u32 v3, v4  }
0x67: {  	v4 =	vperm.xlane v3, v0;
	_ =	sdelay $0x1  }
0x68: {  	v3 =	vperm.xlane v3, v2;
	v4 =	vadd.s32 v1, v4;
	_ =	sdelay $0x1  }
0x69: {  	v3 =	vadd.s32 v1, v3;
	_ =	sdelay $0x1  }
0x6a: {  	s29 =	sor.u32 $0x6100, s20  }
0x6b: {  	[tilespmem:s29], [sflag:$0x5] =	stream.indirect_vreg.gather [hbm4b:s1+s4], $0x80, v4, vm0, $0x2000b8;
	[tilespmem:$0x10100] =	vst v63  }
0x6c: {  	s30 =	sor.u32 $0x6900, s20  }
0x6d: {  	[tilespmem:s30], [sflag:$0x5] =	stream.indirect_vreg.gather [hbm4b:s1+s4], $0x80, v3, vm0, $0x2000b8;
	[tilespmem:$0x10100] =	vst v63  }
0x6e: {  	v3 =	vld [tilespmem:s21+$0x70];
	_ =	sdelay $0x4  }
0x6f: {  	v63 =	vshll.u32 v3, $0x1  }
0x70: {  	v3 =	vand.u32 $0x7, v3;
	v4 =	vand.u32 $0xFFFFFFF0, v63  }
0x71: {  	v3 =	vor.u32 v3, v4  }
0x72: {  	v4 =	vperm.xlane v3, v0;
	_ =	sdelay $0x1  }
0x73: {  	v3 =	vperm.xlane v3, v2;
	v4 =	vadd.s32 v1, v4;
	_ =	sdelay $0x1  }
0x74: {  	v3 =	vadd.s32 v1, v3;
	_ =	sdelay $0x1  }
0x75: {  	s31 =	sor.u32 $0x7100, s20  }
0x76: {  	[tilespmem:s31], [sflag:$0x5] =	stream.indirect_vreg.gather [hbm4b:s1+s4], $0x80, v4, vm0, $0x2000b8;
	[tilespmem:$0x10100] =	vst v63  }
0x77: {  	s20 =	sor.u32 $0x7900, s20  }
0x78: {  	[tilespmem:s20], [sflag:$0x5] =	stream.indirect_vreg.gather [hbm4b:s1+s4], $0x80, v3, vm0, $0x2000b8;
	[tilespmem:$0x10100] =	vst v63  }
0x79: {  	_ =	swait.ge [sflag:s8], $0x8000  }
0x7a: {  	p2 =	seq.s32 s11, $0x1;
	[sflag:s8] =	ssyncset.done $0x0  }
0x7b: {  	s17 =	sadd.s32 s5, s17;
	p1 =	por p2, p1;
	[sflag:s8] =	ssyncadd.s32 $0xFFFF8000  }
0x7c: {  	s17 =	sshll.u32 @p1 s17, $0xC;
	_ =	strace $0x9000004B  }
0x7d: {  	s17 =	sand.u32 @p1 $0x1FFFF000, s17;
	s21 =	simm.s32 $0x1;
	_ =	strace @p1 $0x8000004C  }
0x7e: {  	s18 =	sadd.s32 @p1 $0x3, s18;
	s21 =	simm.s32 @!p0 $0x0;
	s20 =	rddreg [dreg:$0x4]  }
0x7f: {  	p0 =	seq.s32 s11, $0x4;
	s17 =	sadd.s32 @p1 s20, s17;
	s20 =	simm.s32 @p1 $0x0  }
0x80: {  	[hbm4b:s17+s20] =	stream.linear.scatter @p1 [tilespmem:s19], [sflag:s18], $0x8000, $0x200038;
	[tilespmem:$0x10100] =	vst v63  }
0x81: {  	s17 =	simm.s32 $0x1;
	s19 =	simm.s32 $0x1;
	_ =	strace @p1 $0x9000004C  }
0x82: {  	s17 =	simm.s32 @!p1 $0x0;
	p1 =	sne.s32 s11, $0x4;
	s11 =	sadd.s32 $0xFFFFFFFF, s11  }
0x83: {  	s18 =	sand.u32 @!p0 $0x1, s13;
	s19 =	simm.s32 @!p1 $0x0;
	p1 =	sne.s32 s11, $0x0  }
.Ltmp0:
0x84: {  	s18 =	sadd.s32 @!p0 $0x3, s18;
	_ =	strace @!p0 $0x8000004D;
	(pc) =	sbr.rel @p1 .LBB2_2-.Ltmp0, $4  }
0x85: {  	_ =	swait.ge @!p0 [sflag:s18], $0x8000  }
0x86: {  	[sflag:s18] =	ssyncset.done @!p0 $0x0  }
0x87: {  	s16 =	sadd.s32 s21, s16;
	s14 =	sadd.s32 s17, s14;
	[sflag:s18] =	ssyncadd.s32 @!p0 $0xFFFF8000  }
0x88: {  	s15 =	sadd.s32 s17, s15;
	s13 =	sadd.s32 s19, s13;
	_ =	strace @!p0 $0x9000004D  }
0x89: {  	s10 =	sadd.s32 $0x1, s10  }
0x8a: {  	p0 =	sne.s32 s10, s7  }
.Ltmp1:
0x8b: {  	_ =	strace $0x8000004E;
	(pc) =	sbr.rel @p0 .LBB2_1-.Ltmp1, $4  }
0x8c: {  	_ =	swait.ge [sflag:s9], $0x8000  }
0x8d: {  	[sflag:s9] =	ssyncset.done $0x0  }
0x8e: {  	[sflag:s9] =	ssyncadd.s32 $0xFFFF8000  }
0x8f: {  	_ =	strace $0x9000004E  }
0x90: {  	_ =	sfence.sel $0x180000  }
0x91: {  	[bflag:$0x0] =	sbarrier.arrive $0xFFFF  }
0x92: {  	p0 =	sne.s32 s3, $0x0;
	_ =	strace $0x90000047  }
0x93: {  	s0 =	sadd.s32 @!p0 $0x100000, s0;
	[bflag:$0x2] =	sbarrier.arrive $0xFFFF  }
0x94: {  	[sflag:s0] =	ssyncadd.tile.s32 @!p0 $0x1;
	_ =	shalt  }
.Lfunc_end2:
_tile_overlayer_lowered:
.L_overlay_start_2:
0x95: {  	(tag) =	ssettag $0x2  }
0x96: {  	s0 =	rddreg [dreg:$0x0];
	s2 =	stileid.u32  }
0x97: {  	s1 =	rddreg [dreg:$0x1];
	p0 =	sne.s32 s2, $0x0  }
0x98: {  	s3 =	rddreg [dreg:$0x2];
	[bflag:$0x3] =	sbarrier.arrive $0xFFFF;
	s2 =	simm.s32 @!p0 $0x1C01  }
0x99: {  	[timem:s3], [sflag:s2] =	dma.local @!p0 [hbm:s0], s1  }
0x9a: {  	s0 =	simm.s32 @!p0 $0x1  }
0x9b: {  	_ =	swait.ge @!p0 [sflag:s0], s1  }
0x9c: {  	s1 =	ssub.s32 @!p0 $0x0, s1;
	[sflag:s0] =	ssyncset.done @!p0 $0x0  }
0x9d: {  	[sflag:s0] =	ssyncadd.s32 @!p0 s1  }
0x9e: {  	[bflag:$0x3] =	sbarrier.arrive $0xFFFF  }
0x9f: {  	_ =	shalt  }

</sc_bundles>
